<compile_context>
chip_gen: v7x
topology: tpu7x:2x2x1
jax: 0.10.2.dev20260603
libtpu: 0.0.44.dev20260713+nightly
codegen_flags: <defaults>
</compile_context>

<pallas_src>
import functools

import jax
import jax.numpy as jnp
from jax import lax
from jax.experimental import pallas as pl
from jax.experimental.pallas import tpu as pltpu
from jax.experimental.pallas import tpu_sc as plsc

NW = 32
CH = 128


def _sc_gather_sum(ps, pr, senders2d, receivers2d):
    h = ps.shape[1]
    nch_pad = senders2d.shape[0]
    per_w = nch_pad // NW
    e_pad = nch_pad * CH

    mesh = plsc.VectorSubcoreMesh(core_axis_name="c", subcore_axis_name="s")

    @functools.partial(
        pl.kernel,
        out_type=jax.ShapeDtypeStruct((e_pad, h), jnp.float32),
        mesh=mesh,
        scratch_types=[
            pltpu.VMEM((per_w, CH), jnp.int32),
            pltpu.VMEM((per_w, CH), jnp.int32),
            pltpu.VMEM((CH, h), jnp.float32),
            pltpu.VMEM((CH, h), jnp.float32),
            pltpu.VMEM((CH, h), jnp.float32),
            pltpu.VMEM((CH, h), jnp.float32),
            pltpu.VMEM((CH, h), jnp.float32),
            pltpu.VMEM((CH, h), jnp.float32),
            pltpu.SemaphoreType.DMA,
            pltpu.SemaphoreType.DMA,
            pltpu.SemaphoreType.DMA,
            pltpu.SemaphoreType.DMA,
        ],
    )
    def gather_kernel(ps_hbm, pr_hbm, s2d_hbm, r2d_hbm, z_hbm,
                      sidx, ridx, s0, s1, r0, r1, z0, z1,
                      sg0, sg1, sw0, sw1):
        wid = lax.axis_index("s") * 2 + lax.axis_index("c")
        base = wid * per_w
        srows = (s0, s1)
        rrows = (r0, r1)
        zrows = (z0, z1)
        sem_g = (sg0, sg1)
        sem_w = (sw0, sw1)

        pltpu.sync_copy(s2d_hbm.at[pl.ds(base, per_w), :], sidx)
        pltpu.sync_copy(r2d_hbm.at[pl.ds(base, per_w), :], ridx)

        for b in range(2):
            pltpu.async_copy(ps_hbm.at[sidx.at[b]], srows[b], sem_g[b])
            pltpu.async_copy(pr_hbm.at[ridx.at[b]], rrows[b], sem_g[b])

        @pl.loop(0, per_w, step=2)
        def _(it0):
            for b in range(2):
                it = it0 + b
                pltpu.make_async_copy(ps_hbm.at[pl.ds(0, CH), :], srows[b], sem_g[b]).wait()
                pltpu.make_async_copy(pr_hbm.at[pl.ds(0, CH), :], rrows[b], sem_g[b]).wait()

                @pl.loop(0, CH)
                def _(row):
                    for j in range(h // 16):
                        sl = pl.ds(j * 16, 16)
                        zrows[b][row, sl] = srows[b][row, sl] + rrows[b][row, sl]

                @pl.when(it + 2 < per_w)
                def _():
                    pltpu.async_copy(ps_hbm.at[sidx.at[it + 2]], srows[b], sem_g[b])
                    pltpu.async_copy(pr_hbm.at[ridx.at[it + 2]], rrows[b], sem_g[b])

                @pl.when(it >= 2)
                def _():
                    pltpu.make_async_copy(z_hbm.at[pl.ds(0, CH), :], zrows[b], sem_w[b]).wait()
                pltpu.async_copy(zrows[b], z_hbm.at[pl.ds((base + it) * CH, CH), :], sem_w[b])

        for b in range(2):
            pltpu.make_async_copy(z_hbm.at[pl.ds(0, CH), :], zrows[b], sem_w[b]).wait()

    return gather_kernel(ps, pr, senders2d, receivers2d)


def _sc_scatter(edge_msg, receivers2d, zeros_nh):
    e, h = edge_msg.shape
    n_pad = zeros_nh.shape[0]
    c = 256
    k = c // 128
    n_chunks = e // c
    iters = (n_chunks + NW - 1) // NW
    rows_per_tile = n_pad // 16

    mesh = plsc.VectorSubcoreMesh(core_axis_name="c", subcore_axis_name="s")

    @functools.partial(
        pl.kernel,
        out_type=jax.ShapeDtypeStruct((2, n_pad, h), jnp.float32),
        mesh=mesh,
        scratch_types=[
            pltpu.VMEM((k, 128), jnp.int32),
            pltpu.VMEM((c, h), jnp.float32),
            pltpu.VMEM_SHARED((n_pad, h), jnp.float32),
        ],
    )
    def scatter_kernel(msg_hbm, r2d_hbm, z_hbm, out_hbm, ridx, rows, agg):
        cid = lax.axis_index("c")
        sid = lax.axis_index("s")
        wid = sid * 2 + cid
        pltpu.sync_copy(
            z_hbm.at[pl.ds(sid * rows_per_tile, rows_per_tile), :],
            agg.at[pl.ds(sid * rows_per_tile, rows_per_tile), :],
        )
        plsc.subcore_barrier()

        @pl.loop(0, iters)
        def _(it):
            chunk = it * NW + wid

            @pl.when(chunk < n_chunks)
            def _():
                base = chunk * c
                pltpu.sync_copy(msg_hbm.at[pl.ds(base, c), :], rows)
                pltpu.sync_copy(r2d_hbm.at[pl.ds(chunk * k, k), :], ridx)
                for j in range(k):
                    pltpu.sync_copy(rows.at[pl.ds(j * 128, 128), :], agg.at[ridx.at[j]], add=True)

        plsc.subcore_barrier()
        pltpu.sync_copy(
            agg.at[pl.ds(sid * rows_per_tile, rows_per_tile), :],
            out_hbm.at[cid, pl.ds(sid * rows_per_tile, rows_per_tile), :],
        )

    return scatter_kernel(edge_msg, receivers2d, zeros_nh)


def _tc_preproject(x, w0):
    n, h = x.shape
    t = 1000
    grid = (n // t,)

    def body(x_ref, w0_ref, ps_ref, pr_ref):
        x_v = x_ref[...]
        ps_ref[...] = jnp.dot(x_v, w0_ref[0:h, :], preferred_element_type=jnp.float32)
        pr_ref[...] = jnp.dot(x_v, w0_ref[h:2 * h, :], preferred_element_type=jnp.float32)

    tile = pl.BlockSpec((t, h), lambda i: (i, 0))
    full = pl.BlockSpec((3 * h, h), lambda i: (0, 0))
    return pl.pallas_call(
        body,
        grid=grid,
        in_specs=[tile, full],
        out_specs=[tile, tile],
        out_shape=[
            jax.ShapeDtypeStruct((n, h), jnp.float32),
            jax.ShapeDtypeStruct((n, h), jnp.float32),
        ],
    )(x, w0)


def _tc_edge_mlp(z, ea, w0e, b0, w1, b1, w2, b2, w3, b3):
    e, h = ea.shape
    t = 1280
    grid = (e // t,)

    def body(z_ref, ea_ref, w0e_ref, b0_ref, w1_ref, b1_ref, w2_ref,
             b2_ref, w3_ref, b3_ref, en_ref, eo_ref):
        ea_v = ea_ref[...]
        acc = (
            z_ref[...]
            + jnp.dot(ea_v, w0e_ref[...], preferred_element_type=jnp.float32)
            + b0_ref[...]
        )
        acc = jnp.maximum(acc, 0.0)
        acc = jnp.maximum(jnp.dot(acc, w1_ref[...], preferred_element_type=jnp.float32) + b1_ref[...], 0.0)
        acc = jnp.maximum(jnp.dot(acc, w2_ref[...], preferred_element_type=jnp.float32) + b2_ref[...], 0.0)
        en = jnp.dot(acc, w3_ref[...], preferred_element_type=jnp.float32) + b3_ref[...]
        en_ref[...] = en
        eo_ref[...] = ea_v + en

    full = lambda shape: pl.BlockSpec(shape, lambda i: (0,) * len(shape))
    tile = pl.BlockSpec((t, h), lambda i: (i, 0))
    return pl.pallas_call(
        body,
        grid=grid,
        in_specs=[
            tile, tile,
            full((h, h)), full((1, h)),
            full((h, h)), full((1, h)),
            full((h, h)), full((1, h)),
            full((h, h)), full((1, h)),
        ],
        out_specs=[tile, tile],
        out_shape=[
            jax.ShapeDtypeStruct((e, h), jnp.float32),
            jax.ShapeDtypeStruct((e, h), jnp.float32),
        ],
    )(z, ea, w0e, b0.reshape(1, h), w1, b1.reshape(1, h),
      w2, b2.reshape(1, h), w3, b3.reshape(1, h))


def _tc_node_mlp(x, p0, p1, w0, b0, w1, b1, w2, b2, w3, b3):
    n, h = x.shape
    t = 1000
    grid = (n // t,)

    def body(x_ref, p0_ref, p1_ref, w0_ref, b0_ref, w1_ref, b1_ref, w2_ref,
             b2_ref, w3_ref, b3_ref, xo_ref):
        x_v = x_ref[...]
        agg = p0_ref[...] + p1_ref[...]
        acc = (
            jnp.dot(x_v, w0_ref[0:h, :], preferred_element_type=jnp.float32)
            + jnp.dot(agg, w0_ref[h:2 * h, :], preferred_element_type=jnp.float32)
            + b0_ref[...]
        )
        acc = jnp.maximum(acc, 0.0)
        acc = jnp.maximum(jnp.dot(acc, w1_ref[...], preferred_element_type=jnp.float32) + b1_ref[...], 0.0)
        acc = jnp.maximum(jnp.dot(acc, w2_ref[...], preferred_element_type=jnp.float32) + b2_ref[...], 0.0)
        xo_ref[...] = x_v + jnp.dot(acc, w3_ref[...], preferred_element_type=jnp.float32) + b3_ref[...]

    full = lambda shape: pl.BlockSpec(shape, lambda i: (0,) * len(shape))
    tile = pl.BlockSpec((t, h), lambda i: (i, 0))
    return pl.pallas_call(
        body,
        grid=grid,
        in_specs=[
            tile, tile, tile,
            full((2 * h, h)), full((1, h)),
            full((h, h)), full((1, h)),
            full((h, h)), full((1, h)),
            full((h, h)), full((1, h)),
        ],
        out_specs=tile,
        out_shape=jax.ShapeDtypeStruct((n, h), jnp.float32),
    )(x, p0, p1, w0, b0.reshape(1, h), w1, b1.reshape(1, h),
      w2, b2.reshape(1, h), w3, b3.reshape(1, h))


def kernel(node_attr, edge_index, edge_attr,
           eb_W0, eb_b0, eb_W1, eb_b1, eb_W2, eb_b2, eb_W3, eb_b3,
           nb_W0, nb_b0, nb_W1, nb_b1, nb_W2, nb_b2, nb_W3, nb_b3):
    n, h = node_attr.shape
    e = edge_attr.shape[0]

    nch = e // CH
    nch_pad = ((nch + NW * 8 - 1) // (NW * 8)) * (NW * 8)
    pad = nch_pad * CH - e
    senders2d = jnp.concatenate(
        [edge_index[0], jnp.zeros((pad,), jnp.int32)]).reshape(nch_pad, CH)
    receivers2d = jnp.concatenate(
        [edge_index[1], jnp.zeros((pad,), jnp.int32)]).reshape(nch_pad, CH)

    ps, pr = _tc_preproject(node_attr, eb_W0)
    z_pad = _sc_gather_sum(ps, pr, senders2d, receivers2d)
    en, edge_out = _tc_edge_mlp(z_pad[:e], edge_attr,
                                eb_W0[2 * h:], eb_b0, eb_W1, eb_b1,
                                eb_W2, eb_b2, eb_W3, eb_b3)
    n_pad = ((n + 127) // 128) * 128
    zeros = jnp.zeros((n_pad, h), jnp.float32)
    partials = _sc_scatter(en, receivers2d, zeros)
    x_out = _tc_node_mlp(node_attr, partials[0, :n], partials[1, :n],
                         nb_W0, nb_b0, nb_W1, nb_b1, nb_W2, nb_b2, nb_W3, nb_b3)
    return (x_out, edge_out)

# --- scband reference (transcript-rebuilt; emitter-appended) ---
"""Pipeline reference for scband-gn-block-1477468750141 (READ-ONLY COPY).

The authoritative reference and input builder live on the scoring server;
editing this copy changes nothing except your own understanding.
"""

import jax, jax.numpy as jnp
import numpy as np

N = 10000
E = 320000
H = 128


def _init_linear(key, fan_in, fan_out):
    kw, kb = jax.random.split(key)
    W = jax.random.normal(kw, (fan_in, fan_out), jnp.float32) * (1.0 / np.sqrt(fan_in))
    b = jax.random.normal(kb, (fan_out,), jnp.float32) * 0.01
    return W, b


def setup_inputs(seed: int = 0) -> dict:
    key = jax.random.key(seed)
    ks = jax.random.split(key, 12)
    x = jax.random.normal(ks[0], (N, H), jnp.float32)
    edge_index = jax.random.randint(ks[1], (2, E), 0, N, dtype=jnp.int32)
    edge_attr = jax.random.normal(ks[2], (E, H), jnp.float32)
    # edge MLP: 3H -> H -> H -> H (build_mlp: 4 linears, relu between first 3)
    eb_dims = [(3 * H, H), (H, H), (H, H), (H, H)]
    nb_dims = [(2 * H, H), (H, H), (H, H), (H, H)]
    inp = {"node_attr": x, "edge_index": edge_index, "edge_attr": edge_attr}
    for i, (fi, fo) in enumerate(eb_dims):
        W, b = _init_linear(ks[3 + i], fi, fo)
        inp[f"eb_W{i}"] = W
        inp[f"eb_b{i}"] = b
    for i, (fi, fo) in enumerate(nb_dims):
        W, b = _init_linear(ks[7 + i], fi, fo)
        inp[f"nb_W{i}"] = W
        inp[f"nb_b{i}"] = b
    return inp


def _mlp(h, W0, b0, W1, b1, W2, b2, W3, b3):
    h = jax.nn.relu(h @ W0 + b0)
    h = jax.nn.relu(h @ W1 + b1)
    h = jax.nn.relu(h @ W2 + b2)
    return h @ W3 + b3


def reference(node_attr, edge_index, edge_attr,
              eb_W0, eb_b0, eb_W1, eb_b1, eb_W2, eb_b2, eb_W3, eb_b3,
              nb_W0, nb_b0, nb_W1, nb_b1, nb_W2, nb_b2, nb_W3, nb_b3):
    senders_idx = edge_index[0]
    receivers_idx = edge_index[1]
    # EdgeBlock: gather endpoint features, concat, edge MLP
    senders_attr = jnp.take(node_attr, senders_idx, axis=0)
    receivers_attr = jnp.take(node_attr, receivers_idx, axis=0)
    collected_edges = jnp.concatenate([senders_attr, receivers_attr, edge_attr], axis=1)
    edge_attr_new = _mlp(collected_edges, eb_W0, eb_b0, eb_W1, eb_b1, eb_W2, eb_b2, eb_W3, eb_b3)
    # NodeBlock: scatter-add edge messages to receiver nodes, concat, node MLP
    agg = jax.ops.segment_sum(edge_attr_new, receivers_idx, num_segments=node_attr.shape[0])
    collected_nodes = jnp.concatenate([node_attr, agg], axis=-1)
    x_new = _mlp(collected_nodes, nb_W0, nb_b0, nb_W1, nb_b1, nb_W2, nb_b2, nb_W3, nb_b3)
    # residual connections
    x_out = node_attr + x_new
    edge_out = edge_attr + edge_attr_new
    return (x_out, edge_out)

if __name__ == "__main__":
    import jax
    _d = setup_inputs()
    print(jax.jit(kernel)(*tuple(_d.values())))

</pallas_src>

<mosaic_0001>
#map = affine_map<(d0, d1) -> (0, 0)>
#map1 = affine_map<(d0, d1) -> (0, 0, 0)>
module attributes {stable_mosaic.version = 14 : i64} {
  func.func @scatter_kernel(%arg0: i32, %arg1: i32, %arg2: memref<320000x128xf32, #tpu.memory_space<hbm>>, %arg3: memref<2560x128xi32, #tpu.memory_space<hbm>>, %arg4: memref<10112x128xf32, #tpu.memory_space<hbm>>, %arg5: memref<2x10112x128xf32, #tpu.memory_space<hbm>>, %arg6: memref<2x128xi32, #tpu.memory_space<vmem>>, %arg7: memref<256x128xf32, #tpu.memory_space<vmem>>, %arg8: memref<10112x128xf32, #tpu.memory_space<vmem_shared>>) attributes {dimension_semantics = [#tpu.dimension_semantics<core_parallel>, #tpu.dimension_semantics<subcore_parallel>], iteration_bounds = array<i64: 2, 16>, scalar_prefetch = 0 : i64, scratch_operands = 3 : i64, tpu.core_type = #tpu.core_type<sc_vector_subcore>, window_params = [{transform_indices = #map}, {transform_indices = #map}, {transform_indices = #map}, {transform_indices = #map1}]} {
    %mul3A = arith.constant 2 : i32
    %mul3A_0 = arith.muli %arg1, %mul3A : i32
    %add3A = arith.addi %mul3A_0, %arg0 : i32
    %mul3A_1 = arith.constant 632 : i32
    %mul3A_2 = arith.muli %arg1, %mul3A_1 : i32
    %mul3A_3 = arith.constant 632 : i32
    %mul3A_4 = arith.muli %arg1, %mul3A_3 : i32
    "tpu.region"() ({
      %run_scoped3A = tpu.sem_alloc : memref<!tpu.dma_semaphore, #tpu.memory_space<semaphore_mem>>
      %dma_start3A = arith.constant 0 : i32
      %dma_start3A_14 = tpu.memref_slice %arg8[%mul3A_4, %dma_start3A] : memref<10112x128xf32, #tpu.memory_space<vmem_shared>> -> memref<632x128xf32, #tpu.memory_space<vmem_shared>>
      %dma_start3A_15 = arith.constant 0 : i32
      %dma_start3A_16 = tpu.memref_slice %arg4[%mul3A_2, %dma_start3A_15] : memref<10112x128xf32, #tpu.memory_space<hbm>> -> memref<632x128xf32, #tpu.memory_space<hbm>>
      tpu.enqueue_dma source(%dma_start3A_16 : memref<632x128xf32, #tpu.memory_space<hbm>>) target(%dma_start3A_14 : memref<632x128xf32, #tpu.memory_space<vmem_shared>>) target_semaphore(%run_scoped3A : memref<!tpu.dma_semaphore, #tpu.memory_space<semaphore_mem>>)
      %dma_wait3A = arith.constant 0 : i32
      %dma_wait3A_17 = tpu.memref_slice %arg8[%mul3A_4, %dma_wait3A] : memref<10112x128xf32, #tpu.memory_space<vmem_shared>> -> memref<632x128xf32, #tpu.memory_space<vmem_shared>>
      %dma_wait3A_18 = arith.constant 0 : i32
      %dma_wait3A_19 = tpu.memref_slice %arg4[%mul3A_2, %dma_wait3A_18] : memref<10112x128xf32, #tpu.memory_space<hbm>> -> memref<632x128xf32, #tpu.memory_space<hbm>>
      tpu.wait_dma2 semaphore(%run_scoped3A : memref<!tpu.dma_semaphore, #tpu.memory_space<semaphore_mem>>) src(%dma_wait3A_19 : memref<632x128xf32, #tpu.memory_space<hbm>>) dst(%dma_wait3A_17 : memref<632x128xf32, #tpu.memory_space<vmem_shared>>)
      tpu.yield
    }) : () -> ()
    %barrier3A = arith.constant 0 : index
    tpu.barrier barrier_id(%barrier3A)
    %scan3A = arith.constant 0 : i32
    %scan3A_5 = arith.constant 40 : i32
    %scan3A_6 = arith.addi %scan3A, %scan3A_5 : i32
    %scan3A_7 = arith.constant 1 : i32
    scf.for %scan3A_14 = %scan3A to %scan3A_6 step %scan3A_7  : i32 {
      %mul3A_15 = arith.constant 1 : i32
      %mul3A_16 = arith.muli %scan3A_14, %mul3A_15 : i32
      %add3A_17 = arith.constant 0 : i32
      %add3A_18 = arith.addi %add3A_17, %mul3A_16 : i32
      %mul3A_19 = arith.constant 32 : i32
      %mul3A_20 = arith.muli %add3A_18, %mul3A_19 : i32
      %add3A_21 = arith.addi %mul3A_20, %add3A : i32
      %lt3A = arith.constant 1250 : i32
      %lt3A_22 = arith.cmpi slt, %add3A_21, %lt3A : i32
      %convert_element_type3A = arith.extui %lt3A_22 : i1 to i32
      %cond3A = arith.constant 0 : i32
      %cond3A_23 = arith.cmpi ne, %convert_element_type3A, %cond3A : i32
      scf.if %cond3A_23 {
        %mul3A_24 = arith.constant 256 : i32
        %mul3A_25 = arith.muli %add3A_21, %mul3A_24 : i32
        "tpu.region"() ({
          %run_scoped3A_29 = tpu.sem_alloc : memref<!tpu.dma_semaphore, #tpu.memory_space<semaphore_mem>>
          %dma_start3A = arith.constant 0 : i32
          %dma_start3A_30 = tpu.memref_slice %arg2[%mul3A_25, %dma_start3A] : memref<320000x128xf32, #tpu.memory_space<hbm>> -> memref<256x128xf32, #tpu.memory_space<hbm>>
          %dma_start3A_31 = arith.constant 0 : i32
          %dma_start3A_32 = tpu.memref_slice %arg2[%mul3A_25, %dma_start3A_31] : memref<320000x128xf32, #tpu.memory_space<hbm>> -> memref<256x128xf32, #tpu.memory_space<hbm>>
          tpu.enqueue_dma source(%dma_start3A_32 : memref<256x128xf32, #tpu.memory_space<hbm>>) target(%arg7 : memref<256x128xf32, #tpu.memory_space<vmem>>) target_semaphore(%run_scoped3A_29 : memref<!tpu.dma_semaphore, #tpu.memory_space<semaphore_mem>>)
          %dma_wait3A = arith.constant 0 : i32
          %dma_wait3A_33 = tpu.memref_slice %arg2[%mul3A_25, %dma_wait3A] : memref<320000x128xf32, #tpu.memory_space<hbm>> -> memref<256x128xf32, #tpu.memory_space<hbm>>
          %dma_wait3A_34 = arith.constant 0 : i32
          %dma_wait3A_35 = tpu.memref_slice %arg2[%mul3A_25, %dma_wait3A_34] : memref<320000x128xf32, #tpu.memory_space<hbm>> -> memref<256x128xf32, #tpu.memory_space<hbm>>
          tpu.wait_dma2 semaphore(%run_scoped3A_29 : memref<!tpu.dma_semaphore, #tpu.memory_space<semaphore_mem>>) src(%dma_wait3A_35 : memref<256x128xf32, #tpu.memory_space<hbm>>) dst(%arg7 : memref<256x128xf32, #tpu.memory_space<vmem>>)
          tpu.yield
        }) : () -> ()
        %mul3A_26 = arith.constant 2 : i32
        %mul3A_27 = arith.muli %add3A_21, %mul3A_26 : i32
        "tpu.region"() ({
          %run_scoped3A_29 = tpu.sem_alloc : memref<!tpu.dma_semaphore, #tpu.memory_space<semaphore_mem>>
          %dma_start3A = arith.constant 0 : i32
          %dma_start3A_30 = tpu.memref_slice %arg3[%mul3A_27, %dma_start3A] : memref<2560x128xi32, #tpu.memory_space<hbm>> -> memref<2x128xi32, #tpu.memory_space<hbm>>
          %dma_start3A_31 = arith.constant 0 : i32
          %dma_start3A_32 = tpu.memref_slice %arg3[%mul3A_27, %dma_start3A_31] : memref<2560x128xi32, #tpu.memory_space<hbm>> -> memref<2x128xi32, #tpu.memory_space<hbm>>
          tpu.enqueue_dma source(%dma_start3A_32 : memref<2x128xi32, #tpu.memory_space<hbm>>) target(%arg6 : memref<2x128xi32, #tpu.memory_space<vmem>>) target_semaphore(%run_scoped3A_29 : memref<!tpu.dma_semaphore, #tpu.memory_space<semaphore_mem>>)
          %dma_wait3A = arith.constant 0 : i32
          %dma_wait3A_33 = tpu.memref_slice %arg3[%mul3A_27, %dma_wait3A] : memref<2560x128xi32, #tpu.memory_space<hbm>> -> memref<2x128xi32, #tpu.memory_space<hbm>>
          %dma_wait3A_34 = arith.constant 0 : i32
          %dma_wait3A_35 = tpu.memref_slice %arg3[%mul3A_27, %dma_wait3A_34] : memref<2560x128xi32, #tpu.memory_space<hbm>> -> memref<2x128xi32, #tpu.memory_space<hbm>>
          tpu.wait_dma2 semaphore(%run_scoped3A_29 : memref<!tpu.dma_semaphore, #tpu.memory_space<semaphore_mem>>) src(%dma_wait3A_35 : memref<2x128xi32, #tpu.memory_space<hbm>>) dst(%arg6 : memref<2x128xi32, #tpu.memory_space<vmem>>)
          tpu.yield
        }) : () -> ()
        %run_scoped3A = arith.constant 0 : i32
        "tpu.region"() ({
          %run_scoped3A_29 = tpu.sem_alloc : memref<!tpu.dma_semaphore, #tpu.memory_space<semaphore_mem>>
          %dma_start3A = arith.constant 0 : i32
          %dma_start3A_30 = arith.constant 0 : i32
          %dma_start3A_31 = tpu.memref_slice %arg7[%dma_start3A, %dma_start3A_30] : memref<256x128xf32, #tpu.memory_space<vmem>> -> memref<128x128xf32, #tpu.memory_space<vmem>>
          %dma_start3A_32 = arith.constant 0 : i32
          %dma_start3A_33 = tpu.memref_slice %arg6[%run_scoped3A, %dma_start3A_32] : memref<2x128xi32, #tpu.memory_space<vmem>> -> memref<1x128xi32, #tpu.memory_space<vmem>>
          %dma_start3A_34 = tpu.memref_squeeze %dma_start3A_33 : memref<1x128xi32, #tpu.memory_space<vmem>> -> memref<128xi32, #tpu.memory_space<vmem>>
          %dma_start3A_35 = arith.constant 0 : i32
          %dma_start3A_36 = arith.constant 0 : i32
          %dma_start3A_37 = tpu.memref_slice %arg8[%dma_start3A_35, %dma_start3A_36] : memref<10112x128xf32, #tpu.memory_space<vmem_shared>> -> memref<10112x128xf32, #tpu.memory_space<vmem_shared>>
          tpu.enqueue_indirect_dma source(%dma_start3A_31 : memref<128x128xf32, #tpu.memory_space<vmem>>) target(%dma_start3A_37 : memref<10112x128xf32, #tpu.memory_space<vmem_shared>>) offsets(%dma_start3A_34 : memref<128xi32, #tpu.memory_space<vmem>>) semaphore(%run_scoped3A_29 : memref<!tpu.dma_semaphore, #tpu.memory_space<semaphore_mem>>) {add = true}
          %dma_wait3A = arith.constant 0 : i32
          %dma_wait3A_38 = arith.constant 0 : i32
          %dma_wait3A_39 = tpu.memref_slice %arg7[%dma_wait3A, %dma_wait3A_38] : memref<256x128xf32, #tpu.memory_space<vmem>> -> memref<128x128xf32, #tpu.memory_space<vmem>>
          %dma_wait3A_40 = arith.constant 0 : i32
          %dma_wait3A_41 = tpu.memref_slice %arg6[%run_scoped3A, %dma_wait3A_40] : memref<2x128xi32, #tpu.memory_space<vmem>> -> memref<1x128xi32, #tpu.memory_space<vmem>>
          %dma_wait3A_42 = tpu.memref_squeeze %dma_wait3A_41 : memref<1x128xi32, #tpu.memory_space<vmem>> -> memref<128xi32, #tpu.memory_space<vmem>>
          %dma_wait3A_43 = arith.constant 0 : i32
          %dma_wait3A_44 = arith.constant 0 : i32
          %dma_wait3A_45 = tpu.memref_slice %arg8[%dma_wait3A_43, %dma_wait3A_44] : memref<10112x128xf32, #tpu.memory_space<vmem_shared>> -> memref<10112x128xf32, #tpu.memory_space<vmem_shared>>
          tpu.wait_indirect_dma semaphore(%run_scoped3A_29 : memref<!tpu.dma_semaphore, #tpu.memory_space<semaphore_mem>>) src(%dma_wait3A_39 : memref<128x128xf32, #tpu.memory_space<vmem>>) dst(%dma_wait3A_45 : memref<10112x128xf32, #tpu.memory_space<vmem_shared>>)
          tpu.yield
        }) : () -> ()
        %run_scoped3A_28 = arith.constant 1 : i32
        "tpu.region"() ({
          %run_scoped3A_29 = tpu.sem_alloc : memref<!tpu.dma_semaphore, #tpu.memory_space<semaphore_mem>>
          %dma_start3A = arith.constant 128 : i32
          %dma_start3A_30 = arith.constant 0 : i32
          %dma_start3A_31 = tpu.memref_slice %arg7[%dma_start3A, %dma_start3A_30] : memref<256x128xf32, #tpu.memory_space<vmem>> -> memref<128x128xf32, #tpu.memory_space<vmem>>
          %dma_start3A_32 = arith.constant 0 : i32
          %dma_start3A_33 = tpu.memref_slice %arg6[%run_scoped3A_28, %dma_start3A_32] : memref<2x128xi32, #tpu.memory_space<vmem>> -> memref<1x128xi32, #tpu.memory_space<vmem>>
          %dma_start3A_34 = tpu.memref_squeeze %dma_start3A_33 : memref<1x128xi32, #tpu.memory_space<vmem>> -> memref<128xi32, #tpu.memory_space<vmem>>
          %dma_start3A_35 = arith.constant 0 : i32
          %dma_start3A_36 = arith.constant 0 : i32
          %dma_start3A_37 = tpu.memref_slice %arg8[%dma_start3A_35, %dma_start3A_36] : memref<10112x128xf32, #tpu.memory_space<vmem_shared>> -> memref<10112x128xf32, #tpu.memory_space<vmem_shared>>
          tpu.enqueue_indirect_dma source(%dma_start3A_31 : memref<128x128xf32, #tpu.memory_space<vmem>>) target(%dma_start3A_37 : memref<10112x128xf32, #tpu.memory_space<vmem_shared>>) offsets(%dma_start3A_34 : memref<128xi32, #tpu.memory_space<vmem>>) semaphore(%run_scoped3A_29 : memref<!tpu.dma_semaphore, #tpu.memory_space<semaphore_mem>>) {add = true}
          %dma_wait3A = arith.constant 128 : i32
          %dma_wait3A_38 = arith.constant 0 : i32
          %dma_wait3A_39 = tpu.memref_slice %arg7[%dma_wait3A, %dma_wait3A_38] : memref<256x128xf32, #tpu.memory_space<vmem>> -> memref<128x128xf32, #tpu.memory_space<vmem>>
          %dma_wait3A_40 = arith.constant 0 : i32
          %dma_wait3A_41 = tpu.memref_slice %arg6[%run_scoped3A_28, %dma_wait3A_40] : memref<2x128xi32, #tpu.memory_space<vmem>> -> memref<1x128xi32, #tpu.memory_space<vmem>>
          %dma_wait3A_42 = tpu.memref_squeeze %dma_wait3A_41 : memref<1x128xi32, #tpu.memory_space<vmem>> -> memref<128xi32, #tpu.memory_space<vmem>>
          %dma_wait3A_43 = arith.constant 0 : i32
          %dma_wait3A_44 = arith.constant 0 : i32
          %dma_wait3A_45 = tpu.memref_slice %arg8[%dma_wait3A_43, %dma_wait3A_44] : memref<10112x128xf32, #tpu.memory_space<vmem_shared>> -> memref<10112x128xf32, #tpu.memory_space<vmem_shared>>
          tpu.wait_indirect_dma semaphore(%run_scoped3A_29 : memref<!tpu.dma_semaphore, #tpu.memory_space<semaphore_mem>>) src(%dma_wait3A_39 : memref<128x128xf32, #tpu.memory_space<vmem>>) dst(%dma_wait3A_45 : memref<10112x128xf32, #tpu.memory_space<vmem_shared>>)
          tpu.yield
        }) : () -> ()
      } else {
      }
    }
    %scan3A_8 = arith.constant 40 : i32
    %barrier3A_9 = arith.constant 0 : index
    tpu.barrier barrier_id(%barrier3A_9)
    %mul3A_10 = arith.constant 632 : i32
    %mul3A_11 = arith.muli %arg1, %mul3A_10 : i32
    %mul3A_12 = arith.constant 632 : i32
    %mul3A_13 = arith.muli %arg1, %mul3A_12 : i32
    "tpu.region"() ({
      %run_scoped3A = tpu.sem_alloc : memref<!tpu.dma_semaphore, #tpu.memory_space<semaphore_mem>>
      %dma_start3A = arith.constant 0 : i32
      %dma_start3A_14 = tpu.memref_slice %arg5[%arg0, %mul3A_13, %dma_start3A] : memref<2x10112x128xf32, #tpu.memory_space<hbm>> -> memref<1x632x128xf32, #tpu.memory_space<hbm>>
      %dma_start3A_15 = tpu.memref_squeeze %dma_start3A_14 : memref<1x632x128xf32, #tpu.memory_space<hbm>> -> memref<632x128xf32, #tpu.memory_space<hbm>>
      %dma_start3A_16 = arith.constant 0 : i32
      %dma_start3A_17 = tpu.memref_slice %arg8[%mul3A_11, %dma_start3A_16] : memref<10112x128xf32, #tpu.memory_space<vmem_shared>> -> memref<632x128xf32, #tpu.memory_space<vmem_shared>>
      tpu.enqueue_dma source(%dma_start3A_17 : memref<632x128xf32, #tpu.memory_space<vmem_shared>>) target(%dma_start3A_15 : memref<632x128xf32, #tpu.memory_space<hbm>>) target_semaphore(%run_scoped3A : memref<!tpu.dma_semaphore, #tpu.memory_space<semaphore_mem>>)
      %dma_wait3A = arith.constant 0 : i32
      %dma_wait3A_18 = tpu.memref_slice %arg5[%arg0, %mul3A_13, %dma_wait3A] : memref<2x10112x128xf32, #tpu.memory_space<hbm>> -> memref<1x632x128xf32, #tpu.memory_space<hbm>>
      %dma_wait3A_19 = tpu.memref_squeeze %dma_wait3A_18 : memref<1x632x128xf32, #tpu.memory_space<hbm>> -> memref<632x128xf32, #tpu.memory_space<hbm>>
      %dma_wait3A_20 = arith.constant 0 : i32
      %dma_wait3A_21 = tpu.memref_slice %arg8[%mul3A_11, %dma_wait3A_20] : memref<10112x128xf32, #tpu.memory_space<vmem_shared>> -> memref<632x128xf32, #tpu.memory_space<vmem_shared>>
      tpu.wait_dma2 semaphore(%run_scoped3A : memref<!tpu.dma_semaphore, #tpu.memory_space<semaphore_mem>>) src(%dma_wait3A_21 : memref<632x128xf32, #tpu.memory_space<vmem_shared>>) dst(%dma_wait3A_19 : memref<632x128xf32, #tpu.memory_space<hbm>>)
      tpu.yield
    }) : () -> ()
    return
  }
}

#map = affine_map<(d0, d1) -> (0, 0)>
module attributes {stable_mosaic.version = 14 : i64} {
  func.func @gather_kernel(%arg0: i32, %arg1: i32, %arg2: memref<10000x128xf32, #tpu.memory_space<hbm>>, %arg3: memref<10000x128xf32, #tpu.memory_space<hbm>>, %arg4: memref<2560x128xi32, #tpu.memory_space<hbm>>, %arg5: memref<2560x128xi32, #tpu.memory_space<hbm>>, %arg6: memref<327680x128xf32, #tpu.memory_space<hbm>>, %arg7: memref<80x128xi32, #tpu.memory_space<vmem>>, %arg8: memref<80x128xi32, #tpu.memory_space<vmem>>, %arg9: memref<128x128xf32, #tpu.memory_space<vmem>>, %arg10: memref<128x128xf32, #tpu.memory_space<vmem>>, %arg11: memref<128x128xf32, #tpu.memory_space<vmem>>, %arg12: memref<128x128xf32, #tpu.memory_space<vmem>>, %arg13: memref<128x128xf32, #tpu.memory_space<vmem>>, %arg14: memref<128x128xf32, #tpu.memory_space<vmem>>, %arg15: memref<!tpu.dma_semaphore, #tpu.memory_space<semaphore_mem>>, %arg16: memref<!tpu.dma_semaphore, #tpu.memory_space<semaphore_mem>>, %arg17: memref<!tpu.dma_semaphore, #tpu.memory_space<semaphore_mem>>, %arg18: memref<!tpu.dma_semaphore, #tpu.memory_space<semaphore_mem>>) attributes {dimension_semantics = [#tpu.dimension_semantics<core_parallel>, #tpu.dimension_semantics<subcore_parallel>], iteration_bounds = array<i64: 2, 16>, scalar_prefetch = 0 : i64, scratch_operands = 12 : i64, tpu.core_type = #tpu.core_type<sc_vector_subcore>, window_params = [{transform_indices = #map}, {transform_indices = #map}, {transform_indices = #map}, {transform_indices = #map}, {transform_indices = #map}]} {
    %mul3A = arith.constant 2 : i32
    %mul3A_0 = arith.muli %arg1, %mul3A : i32
    %add3A = arith.addi %mul3A_0, %arg0 : i32
    %mul3A_1 = arith.constant 80 : i32
    %mul3A_2 = arith.muli %add3A, %mul3A_1 : i32
    "tpu.region"() ({
      %run_scoped3A = tpu.sem_alloc : memref<!tpu.dma_semaphore, #tpu.memory_space<semaphore_mem>>
      %dma_start3A_45 = arith.constant 0 : i32
      %dma_start3A_46 = tpu.memref_slice %arg4[%mul3A_2, %dma_start3A_45] : memref<2560x128xi32, #tpu.memory_space<hbm>> -> memref<80x128xi32, #tpu.memory_space<hbm>>
      %dma_start3A_47 = arith.constant 0 : i32
      %dma_start3A_48 = tpu.memref_slice %arg4[%mul3A_2, %dma_start3A_47] : memref<2560x128xi32, #tpu.memory_space<hbm>> -> memref<80x128xi32, #tpu.memory_space<hbm>>
      tpu.enqueue_dma source(%dma_start3A_48 : memref<80x128xi32, #tpu.memory_space<hbm>>) target(%arg7 : memref<80x128xi32, #tpu.memory_space<vmem>>) target_semaphore(%run_scoped3A : memref<!tpu.dma_semaphore, #tpu.memory_space<semaphore_mem>>)
      %dma_wait3A_49 = arith.constant 0 : i32
      %dma_wait3A_50 = tpu.memref_slice %arg4[%mul3A_2, %dma_wait3A_49] : memref<2560x128xi32, #tpu.memory_space<hbm>> -> memref<80x128xi32, #tpu.memory_space<hbm>>
      %dma_wait3A_51 = arith.constant 0 : i32
      %dma_wait3A_52 = tpu.memref_slice %arg4[%mul3A_2, %dma_wait3A_51] : memref<2560x128xi32, #tpu.memory_space<hbm>> -> memref<80x128xi32, #tpu.memory_space<hbm>>
      tpu.wait_dma2 semaphore(%run_scoped3A : memref<!tpu.dma_semaphore, #tpu.memory_space<semaphore_mem>>) src(%dma_wait3A_52 : memref<80x128xi32, #tpu.memory_space<hbm>>) dst(%arg7 : memref<80x128xi32, #tpu.memory_space<vmem>>)
      tpu.yield
    }) : () -> ()
    "tpu.region"() ({
      %run_scoped3A = tpu.sem_alloc : memref<!tpu.dma_semaphore, #tpu.memory_space<semaphore_mem>>
      %dma_start3A_45 = arith.constant 0 : i32
      %dma_start3A_46 = tpu.memref_slice %arg5[%mul3A_2, %dma_start3A_45] : memref<2560x128xi32, #tpu.memory_space<hbm>> -> memref<80x128xi32, #tpu.memory_space<hbm>>
      %dma_start3A_47 = arith.constant 0 : i32
      %dma_start3A_48 = tpu.memref_slice %arg5[%mul3A_2, %dma_start3A_47] : memref<2560x128xi32, #tpu.memory_space<hbm>> -> memref<80x128xi32, #tpu.memory_space<hbm>>
      tpu.enqueue_dma source(%dma_start3A_48 : memref<80x128xi32, #tpu.memory_space<hbm>>) target(%arg8 : memref<80x128xi32, #tpu.memory_space<vmem>>) target_semaphore(%run_scoped3A : memref<!tpu.dma_semaphore, #tpu.memory_space<semaphore_mem>>)
      %dma_wait3A_49 = arith.constant 0 : i32
      %dma_wait3A_50 = tpu.memref_slice %arg5[%mul3A_2, %dma_wait3A_49] : memref<2560x128xi32, #tpu.memory_space<hbm>> -> memref<80x128xi32, #tpu.memory_space<hbm>>
      %dma_wait3A_51 = arith.constant 0 : i32
      %dma_wait3A_52 = tpu.memref_slice %arg5[%mul3A_2, %dma_wait3A_51] : memref<2560x128xi32, #tpu.memory_space<hbm>> -> memref<80x128xi32, #tpu.memory_space<hbm>>
      tpu.wait_dma2 semaphore(%run_scoped3A : memref<!tpu.dma_semaphore, #tpu.memory_space<semaphore_mem>>) src(%dma_wait3A_52 : memref<80x128xi32, #tpu.memory_space<hbm>>) dst(%arg8 : memref<80x128xi32, #tpu.memory_space<vmem>>)
      tpu.yield
    }) : () -> ()
    %dma_start3A = arith.constant 0 : i32
    %dma_start3A_3 = arith.constant 0 : i32
    %dma_start3A_4 = tpu.memref_slice %arg7[%dma_start3A, %dma_start3A_3] : memref<80x128xi32, #tpu.memory_space<vmem>> -> memref<1x128xi32, #tpu.memory_space<vmem>>
    %dma_start3A_5 = tpu.memref_squeeze %dma_start3A_4 : memref<1x128xi32, #tpu.memory_space<vmem>> -> memref<128xi32, #tpu.memory_space<vmem>>
    %dma_start3A_6 = arith.constant 0 : i32
    %dma_start3A_7 = arith.constant 0 : i32
    %dma_start3A_8 = tpu.memref_slice %arg2[%dma_start3A_6, %dma_start3A_7] : memref<10000x128xf32, #tpu.memory_space<hbm>> -> memref<10000x128xf32, #tpu.memory_space<hbm>>
    tpu.enqueue_indirect_dma source(%dma_start3A_8 : memref<10000x128xf32, #tpu.memory_space<hbm>>) target(%arg9 : memref<128x128xf32, #tpu.memory_space<vmem>>) offsets(%dma_start3A_5 : memref<128xi32, #tpu.memory_space<vmem>>) semaphore(%arg15 : memref<!tpu.dma_semaphore, #tpu.memory_space<semaphore_mem>>)
    %dma_start3A_9 = arith.constant 0 : i32
    %dma_start3A_10 = arith.constant 0 : i32
    %dma_start3A_11 = tpu.memref_slice %arg8[%dma_start3A_9, %dma_start3A_10] : memref<80x128xi32, #tpu.memory_space<vmem>> -> memref<1x128xi32, #tpu.memory_space<vmem>>
    %dma_start3A_12 = tpu.memref_squeeze %dma_start3A_11 : memref<1x128xi32, #tpu.memory_space<vmem>> -> memref<128xi32, #tpu.memory_space<vmem>>
    %dma_start3A_13 = arith.constant 0 : i32
    %dma_start3A_14 = arith.constant 0 : i32
    %dma_start3A_15 = tpu.memref_slice %arg3[%dma_start3A_13, %dma_start3A_14] : memref<10000x128xf32, #tpu.memory_space<hbm>> -> memref<10000x128xf32, #tpu.memory_space<hbm>>
    tpu.enqueue_indirect_dma source(%dma_start3A_15 : memref<10000x128xf32, #tpu.memory_space<hbm>>) target(%arg11 : memref<128x128xf32, #tpu.memory_space<vmem>>) offsets(%dma_start3A_12 : memref<128xi32, #tpu.memory_space<vmem>>) semaphore(%arg15 : memref<!tpu.dma_semaphore, #tpu.memory_space<semaphore_mem>>)
    %dma_start3A_16 = arith.constant 1 : i32
    %dma_start3A_17 = arith.constant 0 : i32
    %dma_start3A_18 = tpu.memref_slice %arg7[%dma_start3A_16, %dma_start3A_17] : memref<80x128xi32, #tpu.memory_space<vmem>> -> memref<1x128xi32, #tpu.memory_space<vmem>>
    %dma_start3A_19 = tpu.memref_squeeze %dma_start3A_18 : memref<1x128xi32, #tpu.memory_space<vmem>> -> memref<128xi32, #tpu.memory_space<vmem>>
    %dma_start3A_20 = arith.constant 0 : i32
    %dma_start3A_21 = arith.constant 0 : i32
    %dma_start3A_22 = tpu.memref_slice %arg2[%dma_start3A_20, %dma_start3A_21] : memref<10000x128xf32, #tpu.memory_space<hbm>> -> memref<10000x128xf32, #tpu.memory_space<hbm>>
    tpu.enqueue_indirect_dma source(%dma_start3A_22 : memref<10000x128xf32, #tpu.memory_space<hbm>>) target(%arg10 : memref<128x128xf32, #tpu.memory_space<vmem>>) offsets(%dma_start3A_19 : memref<128xi32, #tpu.memory_space<vmem>>) semaphore(%arg16 : memref<!tpu.dma_semaphore, #tpu.memory_space<semaphore_mem>>)
    %dma_start3A_23 = arith.constant 1 : i32
    %dma_start3A_24 = arith.constant 0 : i32
    %dma_start3A_25 = tpu.memref_slice %arg8[%dma_start3A_23, %dma_start3A_24] : memref<80x128xi32, #tpu.memory_space<vmem>> -> memref<1x128xi32, #tpu.memory_space<vmem>>
    %dma_start3A_26 = tpu.memref_squeeze %dma_start3A_25 : memref<1x128xi32, #tpu.memory_space<vmem>> -> memref<128xi32, #tpu.memory_space<vmem>>
    %dma_start3A_27 = arith.constant 0 : i32
    %dma_start3A_28 = arith.constant 0 : i32
    %dma_start3A_29 = tpu.memref_slice %arg3[%dma_start3A_27, %dma_start3A_28] : memref<10000x128xf32, #tpu.memory_space<hbm>> -> memref<10000x128xf32, #tpu.memory_space<hbm>>
    tpu.enqueue_indirect_dma source(%dma_start3A_29 : memref<10000x128xf32, #tpu.memory_space<hbm>>) target(%arg12 : memref<128x128xf32, #tpu.memory_space<vmem>>) offsets(%dma_start3A_26 : memref<128xi32, #tpu.memory_space<vmem>>) semaphore(%arg16 : memref<!tpu.dma_semaphore, #tpu.memory_space<semaphore_mem>>)
    %scan3A = arith.constant 0 : i32
    %scan3A_30 = arith.constant 40 : i32
    %scan3A_31 = arith.addi %scan3A, %scan3A_30 : i32
    %scan3A_32 = arith.constant 1 : i32
    scf.for %scan3A_45 = %scan3A to %scan3A_31 step %scan3A_32  : i32 {
      %mul3A_46 = arith.constant 2 : i32
      %mul3A_47 = arith.muli %scan3A_45, %mul3A_46 : i32
      %add3A_48 = arith.constant 0 : i32
      %add3A_49 = arith.addi %add3A_48, %mul3A_47 : i32
      %add3A_50 = arith.constant 0 : i32
      %add3A_51 = arith.addi %add3A_49, %add3A_50 : i32
      %dma_wait3A_52 = arith.constant 0 : i32
      %dma_wait3A_53 = arith.constant 0 : i32
      %dma_wait3A_54 = tpu.memref_slice %arg2[%dma_wait3A_52, %dma_wait3A_53] : memref<10000x128xf32, #tpu.memory_space<hbm>> -> memref<128x128xf32, #tpu.memory_space<hbm>>
      %dma_wait3A_55 = arith.constant 0 : i32
      %dma_wait3A_56 = arith.constant 0 : i32
      %dma_wait3A_57 = tpu.memref_slice %arg2[%dma_wait3A_55, %dma_wait3A_56] : memref<10000x128xf32, #tpu.memory_space<hbm>> -> memref<128x128xf32, #tpu.memory_space<hbm>>
      tpu.wait_dma2 semaphore(%arg15 : memref<!tpu.dma_semaphore, #tpu.memory_space<semaphore_mem>>) src(%dma_wait3A_57 : memref<128x128xf32, #tpu.memory_space<hbm>>) dst(%arg9 : memref<128x128xf32, #tpu.memory_space<vmem>>)
      %dma_wait3A_58 = arith.constant 0 : i32
      %dma_wait3A_59 = arith.constant 0 : i32
      %dma_wait3A_60 = tpu.memref_slice %arg3[%dma_wait3A_58, %dma_wait3A_59] : memref<10000x128xf32, #tpu.memory_space<hbm>> -> memref<128x128xf32, #tpu.memory_space<hbm>>
      %dma_wait3A_61 = arith.constant 0 : i32
      %dma_wait3A_62 = arith.constant 0 : i32
      %dma_wait3A_63 = tpu.memref_slice %arg3[%dma_wait3A_61, %dma_wait3A_62] : memref<10000x128xf32, #tpu.memory_space<hbm>> -> memref<128x128xf32, #tpu.memory_space<hbm>>
      tpu.wait_dma2 semaphore(%arg15 : memref<!tpu.dma_semaphore, #tpu.memory_space<semaphore_mem>>) src(%dma_wait3A_63 : memref<128x128xf32, #tpu.memory_space<hbm>>) dst(%arg11 : memref<128x128xf32, #tpu.memory_space<vmem>>)
      %scan3A_64 = arith.constant 0 : i32
      %scan3A_65 = arith.constant 128 : i32
      %scan3A_66 = arith.addi %scan3A_64, %scan3A_65 : i32
      %scan3A_67 = arith.constant 1 : i32
      scf.for %scan3A_122 = %scan3A_64 to %scan3A_66 step %scan3A_67  : i32 {
        %mul3A_123 = arith.constant 1 : i32
        %mul3A_124 = arith.muli %scan3A_122, %mul3A_123 : i32
        %add3A_125 = arith.constant 0 : i32
        %add3A_126 = arith.addi %add3A_125, %mul3A_124 : i32
        %get3A = arith.index_cast %add3A_126 : i32 to index
        %get3A_127 = arith.constant 0 : index
        %get3A_128 = tpu.vector_load %arg9[%get3A, %get3A_127] {strides = array<i32>} : memref<128x128xf32, #tpu.memory_space<vmem>>, vector<1x16xf32>,
        %get3A_129 = vector.shape_cast %get3A_128 : vector<1x16xf32> to vector<16xf32>
        %get3A_130 = arith.index_cast %add3A_126 : i32 to index
        %get3A_131 = arith.constant 0 : index
        %get3A_132 = tpu.vector_load %arg11[%get3A_130, %get3A_131] {strides = array<i32>} : memref<128x128xf32, #tpu.memory_space<vmem>>, vector<1x16xf32>,
        %get3A_133 = vector.shape_cast %get3A_132 : vector<1x16xf32> to vector<16xf32>
        %add3A_134 = arith.addf %get3A_129, %get3A_133 : vector<16xf32>
        %swap3A = arith.index_cast %add3A_126 : i32 to index
        %swap3A_135 = arith.constant 0 : index
        %swap3A_136 = tpu.vector_load %arg13[%swap3A, %swap3A_135] {strides = array<i32>} : memref<128x128xf32, #tpu.memory_space<vmem>>, vector<1x16xf32>,
        %swap3A_137 = vector.shape_cast %swap3A_136 : vector<1x16xf32> to vector<16xf32>
        %swap3A_138 = vector.shape_cast %add3A_134 : vector<16xf32> to vector<1x16xf32>
        tpu.vector_store %arg13[%swap3A, %swap3A_135], %swap3A_138 {strides = array<i32>} : memref<128x128xf32, #tpu.memory_space<vmem>>, vector<1x16xf32>,
        %get3A_139 = arith.index_cast %add3A_126 : i32 to index
        %get3A_140 = arith.constant 16 : index
        %get3A_141 = tpu.vector_load %arg9[%get3A_139, %get3A_140] {strides = array<i32>} : memref<128x128xf32, #tpu.memory_space<vmem>>, vector<1x16xf32>,
        %get3A_142 = vector.shape_cast %get3A_141 : vector<1x16xf32> to vector<16xf32>
        %get3A_143 = arith.index_cast %add3A_126 : i32 to index
        %get3A_144 = arith.constant 16 : index
        %get3A_145 = tpu.vector_load %arg11[%get3A_143, %get3A_144] {strides = array<i32>} : memref<128x128xf32, #tpu.memory_space<vmem>>, vector<1x16xf32>,
        %get3A_146 = vector.shape_cast %get3A_145 : vector<1x16xf32> to vector<16xf32>
        %add3A_147 = arith.addf %get3A_142, %get3A_146 : vector<16xf32>
        %swap3A_148 = arith.index_cast %add3A_126 : i32 to index
        %swap3A_149 = arith.constant 16 : index
        %swap3A_150 = tpu.vector_load %arg13[%swap3A_148, %swap3A_149] {strides = array<i32>} : memref<128x128xf32, #tpu.memory_space<vmem>>, vector<1x16xf32>,
        %swap3A_151 = vector.shape_cast %swap3A_150 : vector<1x16xf32> to vector<16xf32>
        %swap3A_152 = vector.shape_cast %add3A_147 : vector<16xf32> to vector<1x16xf32>
        tpu.vector_store %arg13[%swap3A_148, %swap3A_149], %swap3A_152 {strides = array<i32>} : memref<128x128xf32, #tpu.memory_space<vmem>>, vector<1x16xf32>,
        %get3A_153 = arith.index_cast %add3A_126 : i32 to index
        %get3A_154 = arith.constant 32 : index
        %get3A_155 = tpu.vector_load %arg9[%get3A_153, %get3A_154] {strides = array<i32>} : memref<128x128xf32, #tpu.memory_space<vmem>>, vector<1x16xf32>,
        %get3A_156 = vector.shape_cast %get3A_155 : vector<1x16xf32> to vector<16xf32>
        %get3A_157 = arith.index_cast %add3A_126 : i32 to index
        %get3A_158 = arith.constant 32 : index
        %get3A_159 = tpu.vector_load %arg11[%get3A_157, %get3A_158] {strides = array<i32>} : memref<128x128xf32, #tpu.memory_space<vmem>>, vector<1x16xf32>,
        %get3A_160 = vector.shape_cast %get3A_159 : vector<1x16xf32> to vector<16xf32>
        %add3A_161 = arith.addf %get3A_156, %get3A_160 : vector<16xf32>
        %swap3A_162 = arith.index_cast %add3A_126 : i32 to index
        %swap3A_163 = arith.constant 32 : index
        %swap3A_164 = tpu.vector_load %arg13[%swap3A_162, %swap3A_163] {strides = array<i32>} : memref<128x128xf32, #tpu.memory_space<vmem>>, vector<1x16xf32>,
        %swap3A_165 = vector.shape_cast %swap3A_164 : vector<1x16xf32> to vector<16xf32>
        %swap3A_166 = vector.shape_cast %add3A_161 : vector<16xf32> to vector<1x16xf32>
        tpu.vector_store %arg13[%swap3A_162, %swap3A_163], %swap3A_166 {strides = array<i32>} : memref<128x128xf32, #tpu.memory_space<vmem>>, vector<1x16xf32>,
        %get3A_167 = arith.index_cast %add3A_126 : i32 to index
        %get3A_168 = arith.constant 48 : index
        %get3A_169 = tpu.vector_load %arg9[%get3A_167, %get3A_168] {strides = array<i32>} : memref<128x128xf32, #tpu.memory_space<vmem>>, vector<1x16xf32>,
        %get3A_170 = vector.shape_cast %get3A_169 : vector<1x16xf32> to vector<16xf32>
        %get3A_171 = arith.index_cast %add3A_126 : i32 to index
        %get3A_172 = arith.constant 48 : index
        %get3A_173 = tpu.vector_load %arg11[%get3A_171, %get3A_172] {strides = array<i32>} : memref<128x128xf32, #tpu.memory_space<vmem>>, vector<1x16xf32>,
        %get3A_174 = vector.shape_cast %get3A_173 : vector<1x16xf32> to vector<16xf32>
        %add3A_175 = arith.addf %get3A_170, %get3A_174 : vector<16xf32>
        %swap3A_176 = arith.index_cast %add3A_126 : i32 to index
        %swap3A_177 = arith.constant 48 : index
        %swap3A_178 = tpu.vector_load %arg13[%swap3A_176, %swap3A_177] {strides = array<i32>} : memref<128x128xf32, #tpu.memory_space<vmem>>, vector<1x16xf32>,
        %swap3A_179 = vector.shape_cast %swap3A_178 : vector<1x16xf32> to vector<16xf32>
        %swap3A_180 = vector.shape_cast %add3A_175 : vector<16xf32> to vector<1x16xf32>
        tpu.vector_store %arg13[%swap3A_176, %swap3A_177], %swap3A_180 {strides = array<i32>} : memref<128x128xf32, #tpu.memory_space<vmem>>, vector<1x16xf32>,
        %get3A_181 = arith.index_cast %add3A_126 : i32 to index
        %get3A_182 = arith.constant 64 : index
        %get3A_183 = tpu.vector_load %arg9[%get3A_181, %get3A_182] {strides = array<i32>} : memref<128x128xf32, #tpu.memory_space<vmem>>, vector<1x16xf32>,
        %get3A_184 = vector.shape_cast %get3A_183 : vector<1x16xf32> to vector<16xf32>
        %get3A_185 = arith.index_cast %add3A_126 : i32 to index
        %get3A_186 = arith.constant 64 : index
        %get3A_187 = tpu.vector_load %arg11[%get3A_185, %get3A_186] {strides = array<i32>} : memref<128x128xf32, #tpu.memory_space<vmem>>, vector<1x16xf32>,
        %get3A_188 = vector.shape_cast %get3A_187 : vector<1x16xf32> to vector<16xf32>
        %add3A_189 = arith.addf %get3A_184, %get3A_188 : vector<16xf32>
        %swap3A_190 = arith.index_cast %add3A_126 : i32 to index
        %swap3A_191 = arith.constant 64 : index
        %swap3A_192 = tpu.vector_load %arg13[%swap3A_190, %swap3A_191] {strides = array<i32>} : memref<128x128xf32, #tpu.memory_space<vmem>>, vector<1x16xf32>,
        %swap3A_193 = vector.shape_cast %swap3A_192 : vector<1x16xf32> to vector<16xf32>
        %swap3A_194 = vector.shape_cast %add3A_189 : vector<16xf32> to vector<1x16xf32>
        tpu.vector_store %arg13[%swap3A_190, %swap3A_191], %swap3A_194 {strides = array<i32>} : memref<128x128xf32, #tpu.memory_space<vmem>>, vector<1x16xf32>,
        %get3A_195 = arith.index_cast %add3A_126 : i32 to index
        %get3A_196 = arith.constant 80 : index
        %get3A_197 = tpu.vector_load %arg9[%get3A_195, %get3A_196] {strides = array<i32>} : memref<128x128xf32, #tpu.memory_space<vmem>>, vector<1x16xf32>,
        %get3A_198 = vector.shape_cast %get3A_197 : vector<1x16xf32> to vector<16xf32>
        %get3A_199 = arith.index_cast %add3A_126 : i32 to index
        %get3A_200 = arith.constant 80 : index
        %get3A_201 = tpu.vector_load %arg11[%get3A_199, %get3A_200] {strides = array<i32>} : memref<128x128xf32, #tpu.memory_space<vmem>>, vector<1x16xf32>,
        %get3A_202 = vector.shape_cast %get3A_201 : vector<1x16xf32> to vector<16xf32>
        %add3A_203 = arith.addf %get3A_198, %get3A_202 : vector<16xf32>
        %swap3A_204 = arith.index_cast %add3A_126 : i32 to index
        %swap3A_205 = arith.constant 80 : index
        %swap3A_206 = tpu.vector_load %arg13[%swap3A_204, %swap3A_205] {strides = array<i32>} : memref<128x128xf32, #tpu.memory_space<vmem>>, vector<1x16xf32>,
        %swap3A_207 = vector.shape_cast %swap3A_206 : vector<1x16xf32> to vector<16xf32>
        %swap3A_208 = vector.shape_cast %add3A_203 : vector<16xf32> to vector<1x16xf32>
        tpu.vector_store %arg13[%swap3A_204, %swap3A_205], %swap3A_208 {strides = array<i32>} : memref<128x128xf32, #tpu.memory_space<vmem>>, vector<1x16xf32>,
        %get3A_209 = arith.index_cast %add3A_126 : i32 to index
        %get3A_210 = arith.constant 96 : index
        %get3A_211 = tpu.vector_load %arg9[%get3A_209, %get3A_210] {strides = array<i32>} : memref<128x128xf32, #tpu.memory_space<vmem>>, vector<1x16xf32>,
        %get3A_212 = vector.shape_cast %get3A_211 : vector<1x16xf32> to vector<16xf32>
        %get3A_213 = arith.index_cast %add3A_126 : i32 to index
        %get3A_214 = arith.constant 96 : index
        %get3A_215 = tpu.vector_load %arg11[%get3A_213, %get3A_214] {strides = array<i32>} : memref<128x128xf32, #tpu.memory_space<vmem>>, vector<1x16xf32>,
        %get3A_216 = vector.shape_cast %get3A_215 : vector<1x16xf32> to vector<16xf32>
        %add3A_217 = arith.addf %get3A_212, %get3A_216 : vector<16xf32>
        %swap3A_218 = arith.index_cast %add3A_126 : i32 to index
        %swap3A_219 = arith.constant 96 : index
        %swap3A_220 = tpu.vector_load %arg13[%swap3A_218, %swap3A_219] {strides = array<i32>} : memref<128x128xf32, #tpu.memory_space<vmem>>, vector<1x16xf32>,
        %swap3A_221 = vector.shape_cast %swap3A_220 : vector<1x16xf32> to vector<16xf32>
        %swap3A_222 = vector.shape_cast %add3A_217 : vector<16xf32> to vector<1x16xf32>
        tpu.vector_store %arg13[%swap3A_218, %swap3A_219], %swap3A_222 {strides = array<i32>} : memref<128x128xf32, #tpu.memory_space<vmem>>, vector<1x16xf32>,
        %get3A_223 = arith.index_cast %add3A_126 : i32 to index
        %get3A_224 = arith.constant 112 : index
        %get3A_225 = tpu.vector_load %arg9[%get3A_223, %get3A_224] {strides = array<i32>} : memref<128x128xf32, #tpu.memory_space<vmem>>, vector<1x16xf32>,
        %get3A_226 = vector.shape_cast %get3A_225 : vector<1x16xf32> to vector<16xf32>
        %get3A_227 = arith.index_cast %add3A_126 : i32 to index
        %get3A_228 = arith.constant 112 : index
        %get3A_229 = tpu.vector_load %arg11[%get3A_227, %get3A_228] {strides = array<i32>} : memref<128x128xf32, #tpu.memory_space<vmem>>, vector<1x16xf32>,
        %get3A_230 = vector.shape_cast %get3A_229 : vector<1x16xf32> to vector<16xf32>
        %add3A_231 = arith.addf %get3A_226, %get3A_230 : vector<16xf32>
        %swap3A_232 = arith.index_cast %add3A_126 : i32 to index
        %swap3A_233 = arith.constant 112 : index
        %swap3A_234 = tpu.vector_load %arg13[%swap3A_232, %swap3A_233] {strides = array<i32>} : memref<128x128xf32, #tpu.memory_space<vmem>>, vector<1x16xf32>,
        %swap3A_235 = vector.shape_cast %swap3A_234 : vector<1x16xf32> to vector<16xf32>
        %swap3A_236 = vector.shape_cast %add3A_231 : vector<16xf32> to vector<1x16xf32>
        tpu.vector_store %arg13[%swap3A_232, %swap3A_233], %swap3A_236 {strides = array<i32>} : memref<128x128xf32, #tpu.memory_space<vmem>>, vector<1x16xf32>,
      }
      %scan3A_68 = arith.constant 128 : i32
      %add3A_69 = arith.constant 2 : i32
      %add3A_70 = arith.addi %add3A_51, %add3A_69 : i32
      %lt3A = arith.constant 80 : i32
      %lt3A_71 = arith.cmpi slt, %add3A_70, %lt3A : i32
      %convert_element_type3A = arith.extui %lt3A_71 : i1 to i32
      %cond3A = arith.constant 0 : i32
      %cond3A_72 = arith.cmpi ne, %convert_element_type3A, %cond3A : i32
      scf.if %cond3A_72 {
        %add3A_122 = arith.constant 2 : i32
        %add3A_123 = arith.addi %add3A_51, %add3A_122 : i32
        %dma_start3A_124 = arith.constant 0 : i32
        %dma_start3A_125 = tpu.memref_slice %arg7[%add3A_123, %dma_start3A_124] : memref<80x128xi32, #tpu.memory_space<vmem>> -> memref<1x128xi32, #tpu.memory_space<vmem>>
        %dma_start3A_126 = tpu.memref_squeeze %dma_start3A_125 : memref<1x128xi32, #tpu.memory_space<vmem>> -> memref<128xi32, #tpu.memory_space<vmem>>
        %dma_start3A_127 = arith.constant 0 : i32
        %dma_start3A_128 = arith.constant 0 : i32
        %dma_start3A_129 = tpu.memref_slice %arg2[%dma_start3A_127, %dma_start3A_128] : memref<10000x128xf32, #tpu.memory_space<hbm>> -> memref<10000x128xf32, #tpu.memory_space<hbm>>
        tpu.enqueue_indirect_dma source(%dma_start3A_129 : memref<10000x128xf32, #tpu.memory_space<hbm>>) target(%arg9 : memref<128x128xf32, #tpu.memory_space<vmem>>) offsets(%dma_start3A_126 : memref<128xi32, #tpu.memory_space<vmem>>) semaphore(%arg15 : memref<!tpu.dma_semaphore, #tpu.memory_space<semaphore_mem>>)
        %add3A_130 = arith.constant 2 : i32
        %add3A_131 = arith.addi %add3A_51, %add3A_130 : i32
        %dma_start3A_132 = arith.constant 0 : i32
        %dma_start3A_133 = tpu.memref_slice %arg8[%add3A_131, %dma_start3A_132] : memref<80x128xi32, #tpu.memory_space<vmem>> -> memref<1x128xi32, #tpu.memory_space<vmem>>
        %dma_start3A_134 = tpu.memref_squeeze %dma_start3A_133 : memref<1x128xi32, #tpu.memory_space<vmem>> -> memref<128xi32, #tpu.memory_space<vmem>>
        %dma_start3A_135 = arith.constant 0 : i32
        %dma_start3A_136 = arith.constant 0 : i32
        %dma_start3A_137 = tpu.memref_slice %arg3[%dma_start3A_135, %dma_start3A_136] : memref<10000x128xf32, #tpu.memory_space<hbm>> -> memref<10000x128xf32, #tpu.memory_space<hbm>>
        tpu.enqueue_indirect_dma source(%dma_start3A_137 : memref<10000x128xf32, #tpu.memory_space<hbm>>) target(%arg11 : memref<128x128xf32, #tpu.memory_space<vmem>>) offsets(%dma_start3A_134 : memref<128xi32, #tpu.memory_space<vmem>>) semaphore(%arg15 : memref<!tpu.dma_semaphore, #tpu.memory_space<semaphore_mem>>)
      } else {
      }
      %ge3A = arith.constant 2 : i32
      %ge3A_73 = arith.cmpi sge, %add3A_51, %ge3A : i32
      %convert_element_type3A_74 = arith.extui %ge3A_73 : i1 to i32
      %cond3A_75 = arith.constant 0 : i32
      %cond3A_76 = arith.cmpi ne, %convert_element_type3A_74, %cond3A_75 : i32
      scf.if %cond3A_76 {
        %dma_wait3A_122 = arith.constant 0 : i32
        %dma_wait3A_123 = arith.constant 0 : i32
        %dma_wait3A_124 = tpu.memref_slice %arg6[%dma_wait3A_122, %dma_wait3A_123] : memref<327680x128xf32, #tpu.memory_space<hbm>> -> memref<128x128xf32, #tpu.memory_space<hbm>>
        %dma_wait3A_125 = arith.constant 0 : i32
        %dma_wait3A_126 = arith.constant 0 : i32
        %dma_wait3A_127 = tpu.memref_slice %arg6[%dma_wait3A_125, %dma_wait3A_126] : memref<327680x128xf32, #tpu.memory_space<hbm>> -> memref<128x128xf32, #tpu.memory_space<hbm>>
        tpu.wait_dma2 semaphore(%arg17 : memref<!tpu.dma_semaphore, #tpu.memory_space<semaphore_mem>>) src(%dma_wait3A_127 : memref<128x128xf32, #tpu.memory_space<hbm>>) dst(%arg13 : memref<128x128xf32, #tpu.memory_space<vmem>>)
      } else {
      }
      %add3A_77 = arith.addi %mul3A_2, %add3A_51 : i32
      %mul3A_78 = arith.constant 128 : i32
      %mul3A_79 = arith.muli %add3A_77, %mul3A_78 : i32
      %dma_start3A_80 = arith.constant 0 : i32
      %dma_start3A_81 = tpu.memref_slice %arg6[%mul3A_79, %dma_start3A_80] : memref<327680x128xf32, #tpu.memory_space<hbm>> -> memref<128x128xf32, #tpu.memory_space<hbm>>
      %dma_start3A_82 = arith.constant 0 : i32
      %dma_start3A_83 = tpu.memref_slice %arg6[%mul3A_79, %dma_start3A_82] : memref<327680x128xf32, #tpu.memory_space<hbm>> -> memref<128x128xf32, #tpu.memory_space<hbm>>
      tpu.enqueue_dma source(%arg13 : memref<128x128xf32, #tpu.memory_space<vmem>>) target(%dma_start3A_83 : memref<128x128xf32, #tpu.memory_space<hbm>>) target_semaphore(%arg17 : memref<!tpu.dma_semaphore, #tpu.memory_space<semaphore_mem>>)
      %add3A_84 = arith.constant 1 : i32
      %add3A_85 = arith.addi %add3A_49, %add3A_84 : i32
      %dma_wait3A_86 = arith.constant 0 : i32
      %dma_wait3A_87 = arith.constant 0 : i32
      %dma_wait3A_88 = tpu.memref_slice %arg2[%dma_wait3A_86, %dma_wait3A_87] : memref<10000x128xf32, #tpu.memory_space<hbm>> -> memref<128x128xf32, #tpu.memory_space<hbm>>
      %dma_wait3A_89 = arith.constant 0 : i32
      %dma_wait3A_90 = arith.constant 0 : i32
      %dma_wait3A_91 = tpu.memref_slice %arg2[%dma_wait3A_89, %dma_wait3A_90] : memref<10000x128xf32, #tpu.memory_space<hbm>> -> memref<128x128xf32, #tpu.memory_space<hbm>>
      tpu.wait_dma2 semaphore(%arg16 : memref<!tpu.dma_semaphore, #tpu.memory_space<semaphore_mem>>) src(%dma_wait3A_91 : memref<128x128xf32, #tpu.memory_space<hbm>>) dst(%arg10 : memref<128x128xf32, #tpu.memory_space<vmem>>)
      %dma_wait3A_92 = arith.constant 0 : i32
      %dma_wait3A_93 = arith.constant 0 : i32
      %dma_wait3A_94 = tpu.memref_slice %arg3[%dma_wait3A_92, %dma_wait3A_93] : memref<10000x128xf32, #tpu.memory_space<hbm>> -> memref<128x128xf32, #tpu.memory_space<hbm>>
      %dma_wait3A_95 = arith.constant 0 : i32
      %dma_wait3A_96 = arith.constant 0 : i32
      %dma_wait3A_97 = tpu.memref_slice %arg3[%dma_wait3A_95, %dma_wait3A_96] : memref<10000x128xf32, #tpu.memory_space<hbm>> -> memref<128x128xf32, #tpu.memory_space<hbm>>
      tpu.wait_dma2 semaphore(%arg16 : memref<!tpu.dma_semaphore, #tpu.memory_space<semaphore_mem>>) src(%dma_wait3A_97 : memref<128x128xf32, #tpu.memory_space<hbm>>) dst(%arg12 : memref<128x128xf32, #tpu.memory_space<vmem>>)
      %scan3A_98 = arith.constant 0 : i32
      %scan3A_99 = arith.constant 128 : i32
      %scan3A_100 = arith.addi %scan3A_98, %scan3A_99 : i32
      %scan3A_101 = arith.constant 1 : i32
      scf.for %scan3A_122 = %scan3A_98 to %scan3A_100 step %scan3A_101  : i32 {
        %mul3A_123 = arith.constant 1 : i32
        %mul3A_124 = arith.muli %scan3A_122, %mul3A_123 : i32
        %add3A_125 = arith.constant 0 : i32
        %add3A_126 = arith.addi %add3A_125, %mul3A_124 : i32
        %get3A = arith.index_cast %add3A_126 : i32 to index
        %get3A_127 = arith.constant 0 : index
        %get3A_128 = tpu.vector_load %arg10[%get3A, %get3A_127] {strides = array<i32>} : memref<128x128xf32, #tpu.memory_space<vmem>>, vector<1x16xf32>,
        %get3A_129 = vector.shape_cast %get3A_128 : vector<1x16xf32> to vector<16xf32>
        %get3A_130 = arith.index_cast %add3A_126 : i32 to index
        %get3A_131 = arith.constant 0 : index
        %get3A_132 = tpu.vector_load %arg12[%get3A_130, %get3A_131] {strides = array<i32>} : memref<128x128xf32, #tpu.memory_space<vmem>>, vector<1x16xf32>,
        %get3A_133 = vector.shape_cast %get3A_132 : vector<1x16xf32> to vector<16xf32>
        %add3A_134 = arith.addf %get3A_129, %get3A_133 : vector<16xf32>
        %swap3A = arith.index_cast %add3A_126 : i32 to index
        %swap3A_135 = arith.constant 0 : index
        %swap3A_136 = tpu.vector_load %arg14[%swap3A, %swap3A_135] {strides = array<i32>} : memref<128x128xf32, #tpu.memory_space<vmem>>, vector<1x16xf32>,
        %swap3A_137 = vector.shape_cast %swap3A_136 : vector<1x16xf32> to vector<16xf32>
        %swap3A_138 = vector.shape_cast %add3A_134 : vector<16xf32> to vector<1x16xf32>
        tpu.vector_store %arg14[%swap3A, %swap3A_135], %swap3A_138 {strides = array<i32>} : memref<128x128xf32, #tpu.memory_space<vmem>>, vector<1x16xf32>,
        %get3A_139 = arith.index_cast %add3A_126 : i32 to index
        %get3A_140 = arith.constant 16 : index
        %get3A_141 = tpu.vector_load %arg10[%get3A_139, %get3A_140] {strides = array<i32>} : memref<128x128xf32, #tpu.memory_space<vmem>>, vector<1x16xf32>,
        %get3A_142 = vector.shape_cast %get3A_141 : vector<1x16xf32> to vector<16xf32>
        %get3A_143 = arith.index_cast %add3A_126 : i32 to index
        %get3A_144 = arith.constant 16 : index
        %get3A_145 = tpu.vector_load %arg12[%get3A_143, %get3A_144] {strides = array<i32>} : memref<128x128xf32, #tpu.memory_space<vmem>>, vector<1x16xf32>,
        %get3A_146 = vector.shape_cast %get3A_145 : vector<1x16xf32> to vector<16xf32>
        %add3A_147 = arith.addf %get3A_142, %get3A_146 : vector<16xf32>
        %swap3A_148 = arith.index_cast %add3A_126 : i32 to index
        %swap3A_149 = arith.constant 16 : index
        %swap3A_150 = tpu.vector_load %arg14[%swap3A_148, %swap3A_149] {strides = array<i32>} : memref<128x128xf32, #tpu.memory_space<vmem>>, vector<1x16xf32>,
        %swap3A_151 = vector.shape_cast %swap3A_150 : vector<1x16xf32> to vector<16xf32>
        %swap3A_152 = vector.shape_cast %add3A_147 : vector<16xf32> to vector<1x16xf32>
        tpu.vector_store %arg14[%swap3A_148, %swap3A_149], %swap3A_152 {strides = array<i32>} : memref<128x128xf32, #tpu.memory_space<vmem>>, vector<1x16xf32>,
        %get3A_153 = arith.index_cast %add3A_126 : i32 to index
        %get3A_154 = arith.constant 32 : index
        %get3A_155 = tpu.vector_load %arg10[%get3A_153, %get3A_154] {strides = array<i32>} : memref<128x128xf32, #tpu.memory_space<vmem>>, vector<1x16xf32>,
        %get3A_156 = vector.shape_cast %get3A_155 : vector<1x16xf32> to vector<16xf32>
        %get3A_157 = arith.index_cast %add3A_126 : i32 to index
        %get3A_158 = arith.constant 32 : index
        %get3A_159 = tpu.vector_load %arg12[%get3A_157, %get3A_158] {strides = array<i32>} : memref<128x128xf32, #tpu.memory_space<vmem>>, vector<1x16xf32>,
        %get3A_160 = vector.shape_cast %get3A_159 : vector<1x16xf32> to vector<16xf32>
        %add3A_161 = arith.addf %get3A_156, %get3A_160 : vector<16xf32>
        %swap3A_162 = arith.index_cast %add3A_126 : i32 to index
        %swap3A_163 = arith.constant 32 : index
        %swap3A_164 = tpu.vector_load %arg14[%swap3A_162, %swap3A_163] {strides = array<i32>} : memref<128x128xf32, #tpu.memory_space<vmem>>, vector<1x16xf32>,
        %swap3A_165 = vector.shape_cast %swap3A_164 : vector<1x16xf32> to vector<16xf32>
        %swap3A_166 = vector.shape_cast %add3A_161 : vector<16xf32> to vector<1x16xf32>
        tpu.vector_store %arg14[%swap3A_162, %swap3A_163], %swap3A_166 {strides = array<i32>} : memref<128x128xf32, #tpu.memory_space<vmem>>, vector<1x16xf32>,
        %get3A_167 = arith.index_cast %add3A_126 : i32 to index
        %get3A_168 = arith.constant 48 : index
        %get3A_169 = tpu.vector_load %arg10[%get3A_167, %get3A_168] {strides = array<i32>} : memref<128x128xf32, #tpu.memory_space<vmem>>, vector<1x16xf32>,
        %get3A_170 = vector.shape_cast %get3A_169 : vector<1x16xf32> to vector<16xf32>
        %get3A_171 = arith.index_cast %add3A_126 : i32 to index
        %get3A_172 = arith.constant 48 : index
        %get3A_173 = tpu.vector_load %arg12[%get3A_171, %get3A_172] {strides = array<i32>} : memref<128x128xf32, #tpu.memory_space<vmem>>, vector<1x16xf32>,
        %get3A_174 = vector.shape_cast %get3A_173 : vector<1x16xf32> to vector<16xf32>
        %add3A_175 = arith.addf %get3A_170, %get3A_174 : vector<16xf32>
        %swap3A_176 = arith.index_cast %add3A_126 : i32 to index
        %swap3A_177 = arith.constant 48 : index
        %swap3A_178 = tpu.vector_load %arg14[%swap3A_176, %swap3A_177] {strides = array<i32>} : memref<128x128xf32, #tpu.memory_space<vmem>>, vector<1x16xf32>,
        %swap3A_179 = vector.shape_cast %swap3A_178 : vector<1x16xf32> to vector<16xf32>
        %swap3A_180 = vector.shape_cast %add3A_175 : vector<16xf32> to vector<1x16xf32>
        tpu.vector_store %arg14[%swap3A_176, %swap3A_177], %swap3A_180 {strides = array<i32>} : memref<128x128xf32, #tpu.memory_space<vmem>>, vector<1x16xf32>,
        %get3A_181 = arith.index_cast %add3A_126 : i32 to index
        %get3A_182 = arith.constant 64 : index
        %get3A_183 = tpu.vector_load %arg10[%get3A_181, %get3A_182] {strides = array<i32>} : memref<128x128xf32, #tpu.memory_space<vmem>>, vector<1x16xf32>,
        %get3A_184 = vector.shape_cast %get3A_183 : vector<1x16xf32> to vector<16xf32>
        %get3A_185 = arith.index_cast %add3A_126 : i32 to index
        %get3A_186 = arith.constant 64 : index
        %get3A_187 = tpu.vector_load %arg12[%get3A_185, %get3A_186] {strides = array<i32>} : memref<128x128xf32, #tpu.memory_space<vmem>>, vector<1x16xf32>,
        %get3A_188 = vector.shape_cast %get3A_187 : vector<1x16xf32> to vector<16xf32>
        %add3A_189 = arith.addf %get3A_184, %get3A_188 : vector<16xf32>
        %swap3A_190 = arith.index_cast %add3A_126 : i32 to index
        %swap3A_191 = arith.constant 64 : index
        %swap3A_192 = tpu.vector_load %arg14[%swap3A_190, %swap3A_191] {strides = array<i32>} : memref<128x128xf32, #tpu.memory_space<vmem>>, vector<1x16xf32>,
        %swap3A_193 = vector.shape_cast %swap3A_192 : vector<1x16xf32> to vector<16xf32>
        %swap3A_194 = vector.shape_cast %add3A_189 : vector<16xf32> to vector<1x16xf32>
        tpu.vector_store %arg14[%swap3A_190, %swap3A_191], %swap3A_194 {strides = array<i32>} : memref<128x128xf32, #tpu.memory_space<vmem>>, vector<1x16xf32>,
        %get3A_195 = arith.index_cast %add3A_126 : i32 to index
        %get3A_196 = arith.constant 80 : index
        %get3A_197 = tpu.vector_load %arg10[%get3A_195, %get3A_196] {strides = array<i32>} : memref<128x128xf32, #tpu.memory_space<vmem>>, vector<1x16xf32>,
        %get3A_198 = vector.shape_cast %get3A_197 : vector<1x16xf32> to vector<16xf32>
        %get3A_199 = arith.index_cast %add3A_126 : i32 to index
        %get3A_200 = arith.constant 80 : index
        %get3A_201 = tpu.vector_load %arg12[%get3A_199, %get3A_200] {strides = array<i32>} : memref<128x128xf32, #tpu.memory_space<vmem>>, vector<1x16xf32>,
        %get3A_202 = vector.shape_cast %get3A_201 : vector<1x16xf32> to vector<16xf32>
        %add3A_203 = arith.addf %get3A_198, %get3A_202 : vector<16xf32>
        %swap3A_204 = arith.index_cast %add3A_126 : i32 to index
        %swap3A_205 = arith.constant 80 : index
        %swap3A_206 = tpu.vector_load %arg14[%swap3A_204, %swap3A_205] {strides = array<i32>} : memref<128x128xf32, #tpu.memory_space<vmem>>, vector<1x16xf32>,
        %swap3A_207 = vector.shape_cast %swap3A_206 : vector<1x16xf32> to vector<16xf32>
        %swap3A_208 = vector.shape_cast %add3A_203 : vector<16xf32> to vector<1x16xf32>
        tpu.vector_store %arg14[%swap3A_204, %swap3A_205], %swap3A_208 {strides = array<i32>} : memref<128x128xf32, #tpu.memory_space<vmem>>, vector<1x16xf32>,
        %get3A_209 = arith.index_cast %add3A_126 : i32 to index
        %get3A_210 = arith.constant 96 : index
        %get3A_211 = tpu.vector_load %arg10[%get3A_209, %get3A_210] {strides = array<i32>} : memref<128x128xf32, #tpu.memory_space<vmem>>, vector<1x16xf32>,
        %get3A_212 = vector.shape_cast %get3A_211 : vector<1x16xf32> to vector<16xf32>
        %get3A_213 = arith.index_cast %add3A_126 : i32 to index
        %get3A_214 = arith.constant 96 : index
        %get3A_215 = tpu.vector_load %arg12[%get3A_213, %get3A_214] {strides = array<i32>} : memref<128x128xf32, #tpu.memory_space<vmem>>, vector<1x16xf32>,
        %get3A_216 = vector.shape_cast %get3A_215 : vector<1x16xf32> to vector<16xf32>
        %add3A_217 = arith.addf %get3A_212, %get3A_216 : vector<16xf32>
        %swap3A_218 = arith.index_cast %add3A_126 : i32 to index
        %swap3A_219 = arith.constant 96 : index
        %swap3A_220 = tpu.vector_load %arg14[%swap3A_218, %swap3A_219] {strides = array<i32>} : memref<128x128xf32, #tpu.memory_space<vmem>>, vector<1x16xf32>,
        %swap3A_221 = vector.shape_cast %swap3A_220 : vector<1x16xf32> to vector<16xf32>
        %swap3A_222 = vector.shape_cast %add3A_217 : vector<16xf32> to vector<1x16xf32>
        tpu.vector_store %arg14[%swap3A_218, %swap3A_219], %swap3A_222 {strides = array<i32>} : memref<128x128xf32, #tpu.memory_space<vmem>>, vector<1x16xf32>,
        %get3A_223 = arith.index_cast %add3A_126 : i32 to index
        %get3A_224 = arith.constant 112 : index
        %get3A_225 = tpu.vector_load %arg10[%get3A_223, %get3A_224] {strides = array<i32>} : memref<128x128xf32, #tpu.memory_space<vmem>>, vector<1x16xf32>,
        %get3A_226 = vector.shape_cast %get3A_225 : vector<1x16xf32> to vector<16xf32>
        %get3A_227 = arith.index_cast %add3A_126 : i32 to index
        %get3A_228 = arith.constant 112 : index
        %get3A_229 = tpu.vector_load %arg12[%get3A_227, %get3A_228] {strides = array<i32>} : memref<128x128xf32, #tpu.memory_space<vmem>>, vector<1x16xf32>,
        %get3A_230 = vector.shape_cast %get3A_229 : vector<1x16xf32> to vector<16xf32>
        %add3A_231 = arith.addf %get3A_226, %get3A_230 : vector<16xf32>
        %swap3A_232 = arith.index_cast %add3A_126 : i32 to index
        %swap3A_233 = arith.constant 112 : index
        %swap3A_234 = tpu.vector_load %arg14[%swap3A_232, %swap3A_233] {strides = array<i32>} : memref<128x128xf32, #tpu.memory_space<vmem>>, vector<1x16xf32>,
        %swap3A_235 = vector.shape_cast %swap3A_234 : vector<1x16xf32> to vector<16xf32>
        %swap3A_236 = vector.shape_cast %add3A_231 : vector<16xf32> to vector<1x16xf32>
        tpu.vector_store %arg14[%swap3A_232, %swap3A_233], %swap3A_236 {strides = array<i32>} : memref<128x128xf32, #tpu.memory_space<vmem>>, vector<1x16xf32>,
      }
      %scan3A_102 = arith.constant 128 : i32
      %add3A_103 = arith.constant 2 : i32
      %add3A_104 = arith.addi %add3A_85, %add3A_103 : i32
      %lt3A_105 = arith.constant 80 : i32
      %lt3A_106 = arith.cmpi slt, %add3A_104, %lt3A_105 : i32
      %convert_element_type3A_107 = arith.extui %lt3A_106 : i1 to i32
      %cond3A_108 = arith.constant 0 : i32
      %cond3A_109 = arith.cmpi ne, %convert_element_type3A_107, %cond3A_108 : i32
      scf.if %cond3A_109 {
        %add3A_122 = arith.constant 2 : i32
        %add3A_123 = arith.addi %add3A_85, %add3A_122 : i32
        %dma_start3A_124 = arith.constant 0 : i32
        %dma_start3A_125 = tpu.memref_slice %arg7[%add3A_123, %dma_start3A_124] : memref<80x128xi32, #tpu.memory_space<vmem>> -> memref<1x128xi32, #tpu.memory_space<vmem>>
        %dma_start3A_126 = tpu.memref_squeeze %dma_start3A_125 : memref<1x128xi32, #tpu.memory_space<vmem>> -> memref<128xi32, #tpu.memory_space<vmem>>
        %dma_start3A_127 = arith.constant 0 : i32
        %dma_start3A_128 = arith.constant 0 : i32
        %dma_start3A_129 = tpu.memref_slice %arg2[%dma_start3A_127, %dma_start3A_128] : memref<10000x128xf32, #tpu.memory_space<hbm>> -> memref<10000x128xf32, #tpu.memory_space<hbm>>
        tpu.enqueue_indirect_dma source(%dma_start3A_129 : memref<10000x128xf32, #tpu.memory_space<hbm>>) target(%arg10 : memref<128x128xf32, #tpu.memory_space<vmem>>) offsets(%dma_start3A_126 : memref<128xi32, #tpu.memory_space<vmem>>) semaphore(%arg16 : memref<!tpu.dma_semaphore, #tpu.memory_space<semaphore_mem>>)
        %add3A_130 = arith.constant 2 : i32
        %add3A_131 = arith.addi %add3A_85, %add3A_130 : i32
        %dma_start3A_132 = arith.constant 0 : i32
        %dma_start3A_133 = tpu.memref_slice %arg8[%add3A_131, %dma_start3A_132] : memref<80x128xi32, #tpu.memory_space<vmem>> -> memref<1x128xi32, #tpu.memory_space<vmem>>
        %dma_start3A_134 = tpu.memref_squeeze %dma_start3A_133 : memref<1x128xi32, #tpu.memory_space<vmem>> -> memref<128xi32, #tpu.memory_space<vmem>>
        %dma_start3A_135 = arith.constant 0 : i32
        %dma_start3A_136 = arith.constant 0 : i32
        %dma_start3A_137 = tpu.memref_slice %arg3[%dma_start3A_135, %dma_start3A_136] : memref<10000x128xf32, #tpu.memory_space<hbm>> -> memref<10000x128xf32, #tpu.memory_space<hbm>>
        tpu.enqueue_indirect_dma source(%dma_start3A_137 : memref<10000x128xf32, #tpu.memory_space<hbm>>) target(%arg12 : memref<128x128xf32, #tpu.memory_space<vmem>>) offsets(%dma_start3A_134 : memref<128xi32, #tpu.memory_space<vmem>>) semaphore(%arg16 : memref<!tpu.dma_semaphore, #tpu.memory_space<semaphore_mem>>)
      } else {
      }
      %ge3A_110 = arith.constant 2 : i32
      %ge3A_111 = arith.cmpi sge, %add3A_85, %ge3A_110 : i32
      %convert_element_type3A_112 = arith.extui %ge3A_111 : i1 to i32
      %cond3A_113 = arith.constant 0 : i32
      %cond3A_114 = arith.cmpi ne, %convert_element_type3A_112, %cond3A_113 : i32
      scf.if %cond3A_114 {
        %dma_wait3A_122 = arith.constant 0 : i32
        %dma_wait3A_123 = arith.constant 0 : i32
        %dma_wait3A_124 = tpu.memref_slice %arg6[%dma_wait3A_122, %dma_wait3A_123] : memref<327680x128xf32, #tpu.memory_space<hbm>> -> memref<128x128xf32, #tpu.memory_space<hbm>>
        %dma_wait3A_125 = arith.constant 0 : i32
        %dma_wait3A_126 = arith.constant 0 : i32
        %dma_wait3A_127 = tpu.memref_slice %arg6[%dma_wait3A_125, %dma_wait3A_126] : memref<327680x128xf32, #tpu.memory_space<hbm>> -> memref<128x128xf32, #tpu.memory_space<hbm>>
        tpu.wait_dma2 semaphore(%arg18 : memref<!tpu.dma_semaphore, #tpu.memory_space<semaphore_mem>>) src(%dma_wait3A_127 : memref<128x128xf32, #tpu.memory_space<hbm>>) dst(%arg14 : memref<128x128xf32, #tpu.memory_space<vmem>>)
      } else {
      }
      %add3A_115 = arith.addi %mul3A_2, %add3A_85 : i32
      %mul3A_116 = arith.constant 128 : i32
      %mul3A_117 = arith.muli %add3A_115, %mul3A_116 : i32
      %dma_start3A_118 = arith.constant 0 : i32
      %dma_start3A_119 = tpu.memref_slice %arg6[%mul3A_117, %dma_start3A_118] : memref<327680x128xf32, #tpu.memory_space<hbm>> -> memref<128x128xf32, #tpu.memory_space<hbm>>
      %dma_start3A_120 = arith.constant 0 : i32
      %dma_start3A_121 = tpu.memref_slice %arg6[%mul3A_117, %dma_start3A_120] : memref<327680x128xf32, #tpu.memory_space<hbm>> -> memref<128x128xf32, #tpu.memory_space<hbm>>
      tpu.enqueue_dma source(%arg14 : memref<128x128xf32, #tpu.memory_space<vmem>>) target(%dma_start3A_121 : memref<128x128xf32, #tpu.memory_space<hbm>>) target_semaphore(%arg18 : memref<!tpu.dma_semaphore, #tpu.memory_space<semaphore_mem>>)
    }
    %scan3A_33 = arith.constant 40 : i32
    %dma_wait3A = arith.constant 0 : i32
    %dma_wait3A_34 = arith.constant 0 : i32
    %dma_wait3A_35 = tpu.memref_slice %arg6[%dma_wait3A, %dma_wait3A_34] : memref<327680x128xf32, #tpu.memory_space<hbm>> -> memref<128x128xf32, #tpu.memory_space<hbm>>
    %dma_wait3A_36 = arith.constant 0 : i32
    %dma_wait3A_37 = arith.constant 0 : i32
    %dma_wait3A_38 = tpu.memref_slice %arg6[%dma_wait3A_36, %dma_wait3A_37] : memref<327680x128xf32, #tpu.memory_space<hbm>> -> memref<128x128xf32, #tpu.memory_space<hbm>>
    tpu.wait_dma2 semaphore(%arg17 : memref<!tpu.dma_semaphore, #tpu.memory_space<semaphore_mem>>) src(%dma_wait3A_38 : memref<128x128xf32, #tpu.memory_space<hbm>>) dst(%arg13 : memref<128x128xf32, #tpu.memory_space<vmem>>)
    %dma_wait3A_39 = arith.constant 0 : i32
    %dma_wait3A_40 = arith.constant 0 : i32
    %dma_wait3A_41 = tpu.memref_slice %arg6[%dma_wait3A_39, %dma_wait3A_40] : memref<327680x128xf32, #tpu.memory_space<hbm>> -> memref<128x128xf32, #tpu.memory_space<hbm>>
    %dma_wait3A_42 = arith.constant 0 : i32
    %dma_wait3A_43 = arith.constant 0 : i32
    %dma_wait3A_44 = tpu.memref_slice %arg6[%dma_wait3A_42, %dma_wait3A_43] : memref<327680x128xf32, #tpu.memory_space<hbm>> -> memref<128x128xf32, #tpu.memory_space<hbm>>
    tpu.wait_dma2 semaphore(%arg18 : memref<!tpu.dma_semaphore, #tpu.memory_space<semaphore_mem>>) src(%dma_wait3A_44 : memref<128x128xf32, #tpu.memory_space<hbm>>) dst(%arg14 : memref<128x128xf32, #tpu.memory_space<vmem>>)
    return
  }
}

module attributes {stable_mosaic.version = 14 : i64} {
  func.func @body(%arg0: i32, %arg1: memref<1000x128xf32, #tpu.memory_space<vmem>>, %arg2: memref<384x128xf32, #tpu.memory_space<vmem>>, %arg3: memref<1000x128xf32, #tpu.memory_space<vmem>>, %arg4: memref<1000x128xf32, #tpu.memory_space<vmem>>) attributes {dimension_semantics = [#tpu.dimension_semantics<arbitrary>], iteration_bounds = array<i64: 10>, scalar_prefetch = 0 : i64, scratch_operands = 0 : i64, tpu.core_type = #tpu.core_type<tc>, window_params = [{transform_indices = @transform_0, window_bounds = array<i64: 1000, 128>}, {pipeline_mode = #tpu.pipeline_mode<synchronous>, transform_indices = @transform_1, window_bounds = array<i64: 384, 128>}, {transform_indices = @transform_2, window_bounds = array<i64: 1000, 128>}, {transform_indices = @transform_3, window_bounds = array<i64: 1000, 128>}]} {
    %get3A = arith.constant 0 : index
    %get3A_0 = arith.constant 0 : index
    %get3A_1 = vector.load %arg1[%get3A, %get3A_0] : memref<1000x128xf32, #tpu.memory_space<vmem>>, vector<1000x128xf32>
    %get3A_2 = arith.constant 0 : index
    %get3A_3 = arith.constant 0 : index
    %get3A_4 = vector.load %arg2[%get3A_2, %get3A_3] : memref<384x128xf32, #tpu.memory_space<vmem>>, vector<128x128xf32>
    %dot_general3A = arith.constant dense<0.000000e+00> : vector<1000x128xf32>
    %dot_general3A_5 = tpu.matmul %get3A_1, %get3A_4, %dot_general3A {dimension_numbers = #tpu.dot_dimension_numbers<[1], [0], [0], [1], [0, 0, 1, 1], [], []>, transpose_lhs_hint = false} : vector<1000x128xf32>, vector<128x128xf32>, vector<1000x128xf32> -> vector<1000x128xf32>
    %swap3A = arith.constant 0 : index
    %swap3A_6 = arith.constant 0 : index
    %swap3A_7 = vector.load %arg3[%swap3A, %swap3A_6] : memref<1000x128xf32, #tpu.memory_space<vmem>>, vector<1000x128xf32>
    tpu.vector_store %arg3[%swap3A, %swap3A_6], %dot_general3A_5 {strides = array<i32>} : memref<1000x128xf32, #tpu.memory_space<vmem>>, vector<1000x128xf32>,
    %get3A_8 = arith.constant 128 : index
    %get3A_9 = arith.constant 0 : index
    %get3A_10 = vector.load %arg2[%get3A_8, %get3A_9] : memref<384x128xf32, #tpu.memory_space<vmem>>, vector<128x128xf32>
    %dot_general3A_11 = arith.constant dense<0.000000e+00> : vector<1000x128xf32>
    %dot_general3A_12 = tpu.matmul %get3A_1, %get3A_10, %dot_general3A_11 {dimension_numbers = #tpu.dot_dimension_numbers<[1], [0], [0], [1], [0, 0, 1, 1], [], []>, transpose_lhs_hint = false} : vector<1000x128xf32>, vector<128x128xf32>, vector<1000x128xf32> -> vector<1000x128xf32>
    %swap3A_13 = arith.constant 0 : index
    %swap3A_14 = arith.constant 0 : index
    %swap3A_15 = vector.load %arg4[%swap3A_13, %swap3A_14] : memref<1000x128xf32, #tpu.memory_space<vmem>>, vector<1000x128xf32>
    tpu.vector_store %arg4[%swap3A_13, %swap3A_14], %dot_general3A_12 {strides = array<i32>} : memref<1000x128xf32, #tpu.memory_space<vmem>>, vector<1000x128xf32>,
    return
  }
  func.func @transform_0(%arg0: i32) -> (i32, i32) {
    %c0_i32 = arith.constant 0 : i32
    %c0_i32_0 = arith.constant 0 : i32
    return %arg0, %c0_i32 : i32, i32
  }
  func.func @transform_1(%arg0: i32) -> (i32, i32) {
    %c0_i32 = arith.constant 0 : i32
    %c0_i32_0 = arith.constant 0 : i32
    %c0_i32_1 = arith.constant 0 : i32
    return %c0_i32, %c0_i32_0 : i32, i32
  }
  func.func @transform_2(%arg0: i32) -> (i32, i32) {
    %c0_i32 = arith.constant 0 : i32
    %c0_i32_0 = arith.constant 0 : i32
    return %arg0, %c0_i32 : i32, i32
  }
  func.func @transform_3(%arg0: i32) -> (i32, i32) {
    %c0_i32 = arith.constant 0 : i32
    %c0_i32_0 = arith.constant 0 : i32
    return %arg0, %c0_i32 : i32, i32
  }
}

module attributes {stable_mosaic.version = 14 : i64} {
  func.func @body(%arg0: i32, %arg1: memref<1280x128xf32, #tpu.memory_space<vmem>>, %arg2: memref<1280x128xf32, #tpu.memory_space<vmem>>, %arg3: memref<128x128xf32, #tpu.memory_space<vmem>>, %arg4: memref<1x128xf32, #tpu.memory_space<vmem>>, %arg5: memref<128x128xf32, #tpu.memory_space<vmem>>, %arg6: memref<1x128xf32, #tpu.memory_space<vmem>>, %arg7: memref<128x128xf32, #tpu.memory_space<vmem>>, %arg8: memref<1x128xf32, #tpu.memory_space<vmem>>, %arg9: memref<128x128xf32, #tpu.memory_space<vmem>>, %arg10: memref<1x128xf32, #tpu.memory_space<vmem>>, %arg11: memref<1280x128xf32, #tpu.memory_space<vmem>>, %arg12: memref<1280x128xf32, #tpu.memory_space<vmem>>) attributes {dimension_semantics = [#tpu.dimension_semantics<arbitrary>], iteration_bounds = array<i64: 250>, scalar_prefetch = 0 : i64, scratch_operands = 0 : i64, tpu.core_type = #tpu.core_type<tc>, window_params = [{transform_indices = @transform_0, window_bounds = array<i64: 1280, 128>}, {transform_indices = @transform_1, window_bounds = array<i64: 1280, 128>}, {pipeline_mode = #tpu.pipeline_mode<synchronous>, transform_indices = @transform_2, window_bounds = array<i64: 128, 128>}, {pipeline_mode = #tpu.pipeline_mode<synchronous>, transform_indices = @transform_3, window_bounds = array<i64: 1, 128>}, {pipeline_mode = #tpu.pipeline_mode<synchronous>, transform_indices = @transform_4, window_bounds = array<i64: 128, 128>}, {pipeline_mode = #tpu.pipeline_mode<synchronous>, transform_indices = @transform_5, window_bounds = array<i64: 1, 128>}, {pipeline_mode = #tpu.pipeline_mode<synchronous>, transform_indices = @transform_6, window_bounds = array<i64: 128, 128>}, {pipeline_mode = #tpu.pipeline_mode<synchronous>, transform_indices = @transform_7, window_bounds = array<i64: 1, 128>}, {pipeline_mode = #tpu.pipeline_mode<synchronous>, transform_indices = @transform_8, window_bounds = array<i64: 128, 128>}, {pipeline_mode = #tpu.pipeline_mode<synchronous>, transform_indices = @transform_9, window_bounds = array<i64: 1, 128>}, {transform_indices = @transform_10, window_bounds = array<i64: 1280, 128>}, {transform_indices = @transform_11, window_bounds = array<i64: 1280, 128>}]} {
    %get3A = arith.constant 0 : index
    %get3A_0 = arith.constant 0 : index
    %get3A_1 = vector.load %arg2[%get3A, %get3A_0] : memref<1280x128xf32, #tpu.memory_space<vmem>>, vector<1280x128xf32>
    %get3A_2 = arith.constant 0 : index
    %get3A_3 = arith.constant 0 : index
    %get3A_4 = vector.load %arg1[%get3A_2, %get3A_3] : memref<1280x128xf32, #tpu.memory_space<vmem>>, vector<1280x128xf32>
    %get3A_5 = arith.constant 0 : index
    %get3A_6 = arith.constant 0 : index
    %get3A_7 = vector.load %arg3[%get3A_5, %get3A_6] : memref<128x128xf32, #tpu.memory_space<vmem>>, vector<128x128xf32>
    %dot_general3A = arith.constant dense<0.000000e+00> : vector<1280x128xf32>
    %dot_general3A_8 = tpu.matmul %get3A_1, %get3A_7, %dot_general3A {dimension_numbers = #tpu.dot_dimension_numbers<[1], [0], [0], [1], [0, 0, 1, 1], [], []>, transpose_lhs_hint = false} : vector<1280x128xf32>, vector<128x128xf32>, vector<1280x128xf32> -> vector<1280x128xf32>
    %add3A = arith.addf %get3A_4, %dot_general3A_8 : vector<1280x128xf32>
    %get3A_9 = arith.constant 0 : index
    %get3A_10 = arith.constant 0 : index
    %get3A_11 = vector.load %arg4[%get3A_9, %get3A_10] : memref<1x128xf32, #tpu.memory_space<vmem>>, vector<1x128xf32>
    %add3A_12 = vector.broadcast %get3A_11 : vector<1x128xf32> to vector<1280x128xf32>
    %add3A_13 = arith.addf %add3A, %add3A_12 : vector<1280x128xf32>
    %max3A = arith.constant 0.000000e+00 : f32
    %max3A_14 = vector.broadcast %max3A : f32 to vector<1280x128xf32>
    %max3A_15 = arith.maximumf %add3A_13, %max3A_14 : vector<1280x128xf32>
    %get3A_16 = arith.constant 0 : index
    %get3A_17 = arith.constant 0 : index
    %get3A_18 = vector.load %arg5[%get3A_16, %get3A_17] : memref<128x128xf32, #tpu.memory_space<vmem>>, vector<128x128xf32>
    %dot_general3A_19 = arith.constant dense<0.000000e+00> : vector<1280x128xf32>
    %dot_general3A_20 = tpu.matmul %max3A_15, %get3A_18, %dot_general3A_19 {dimension_numbers = #tpu.dot_dimension_numbers<[1], [0], [0], [1], [0, 0, 1, 1], [], []>, transpose_lhs_hint = false} : vector<1280x128xf32>, vector<128x128xf32>, vector<1280x128xf32> -> vector<1280x128xf32>
    %get3A_21 = arith.constant 0 : index
    %get3A_22 = arith.constant 0 : index
    %get3A_23 = vector.load %arg6[%get3A_21, %get3A_22] : memref<1x128xf32, #tpu.memory_space<vmem>>, vector<1x128xf32>
    %add3A_24 = vector.broadcast %get3A_23 : vector<1x128xf32> to vector<1280x128xf32>
    %add3A_25 = arith.addf %dot_general3A_20, %add3A_24 : vector<1280x128xf32>
    %max3A_26 = arith.constant 0.000000e+00 : f32
    %max3A_27 = vector.broadcast %max3A_26 : f32 to vector<1280x128xf32>
    %max3A_28 = arith.maximumf %add3A_25, %max3A_27 : vector<1280x128xf32>
    %get3A_29 = arith.constant 0 : index
    %get3A_30 = arith.constant 0 : index
    %get3A_31 = vector.load %arg7[%get3A_29, %get3A_30] : memref<128x128xf32, #tpu.memory_space<vmem>>, vector<128x128xf32>
    %dot_general3A_32 = arith.constant dense<0.000000e+00> : vector<1280x128xf32>
    %dot_general3A_33 = tpu.matmul %max3A_28, %get3A_31, %dot_general3A_32 {dimension_numbers = #tpu.dot_dimension_numbers<[1], [0], [0], [1], [0, 0, 1, 1], [], []>, transpose_lhs_hint = false} : vector<1280x128xf32>, vector<128x128xf32>, vector<1280x128xf32> -> vector<1280x128xf32>
    %get3A_34 = arith.constant 0 : index
    %get3A_35 = arith.constant 0 : index
    %get3A_36 = vector.load %arg8[%get3A_34, %get3A_35] : memref<1x128xf32, #tpu.memory_space<vmem>>, vector<1x128xf32>
    %add3A_37 = vector.broadcast %get3A_36 : vector<1x128xf32> to vector<1280x128xf32>
    %add3A_38 = arith.addf %dot_general3A_33, %add3A_37 : vector<1280x128xf32>
    %max3A_39 = arith.constant 0.000000e+00 : f32
    %max3A_40 = vector.broadcast %max3A_39 : f32 to vector<1280x128xf32>
    %max3A_41 = arith.maximumf %add3A_38, %max3A_40 : vector<1280x128xf32>
    %get3A_42 = arith.constant 0 : index
    %get3A_43 = arith.constant 0 : index
    %get3A_44 = vector.load %arg9[%get3A_42, %get3A_43] : memref<128x128xf32, #tpu.memory_space<vmem>>, vector<128x128xf32>
    %dot_general3A_45 = arith.constant dense<0.000000e+00> : vector<1280x128xf32>
    %dot_general3A_46 = tpu.matmul %max3A_41, %get3A_44, %dot_general3A_45 {dimension_numbers = #tpu.dot_dimension_numbers<[1], [0], [0], [1], [0, 0, 1, 1], [], []>, transpose_lhs_hint = false} : vector<1280x128xf32>, vector<128x128xf32>, vector<1280x128xf32> -> vector<1280x128xf32>
    %get3A_47 = arith.constant 0 : index
    %get3A_48 = arith.constant 0 : index
    %get3A_49 = vector.load %arg10[%get3A_47, %get3A_48] : memref<1x128xf32, #tpu.memory_space<vmem>>, vector<1x128xf32>
    %add3A_50 = vector.broadcast %get3A_49 : vector<1x128xf32> to vector<1280x128xf32>
    %add3A_51 = arith.addf %dot_general3A_46, %add3A_50 : vector<1280x128xf32>
    %swap3A = arith.constant 0 : index
    %swap3A_52 = arith.constant 0 : index
    %swap3A_53 = vector.load %arg11[%swap3A, %swap3A_52] : memref<1280x128xf32, #tpu.memory_space<vmem>>, vector<1280x128xf32>
    tpu.vector_store %arg11[%swap3A, %swap3A_52], %add3A_51 {strides = array<i32>} : memref<1280x128xf32, #tpu.memory_space<vmem>>, vector<1280x128xf32>,
    %add3A_54 = arith.addf %get3A_1, %add3A_51 : vector<1280x128xf32>
    %swap3A_55 = arith.constant 0 : index
    %swap3A_56 = arith.constant 0 : index
    %swap3A_57 = vector.load %arg12[%swap3A_55, %swap3A_56] : memref<1280x128xf32, #tpu.memory_space<vmem>>, vector<1280x128xf32>
    tpu.vector_store %arg12[%swap3A_55, %swap3A_56], %add3A_54 {strides = array<i32>} : memref<1280x128xf32, #tpu.memory_space<vmem>>, vector<1280x128xf32>,
    return
  }
  func.func @transform_0(%arg0: i32) -> (i32, i32) {
    %c0_i32 = arith.constant 0 : i32
    %c0_i32_0 = arith.constant 0 : i32
    return %arg0, %c0_i32 : i32, i32
  }
  func.func @transform_1(%arg0: i32) -> (i32, i32) {
    %c0_i32 = arith.constant 0 : i32
    %c0_i32_0 = arith.constant 0 : i32
    return %arg0, %c0_i32 : i32, i32
  }
  func.func @transform_2(%arg0: i32) -> (i32, i32) {
    %c0_i32 = arith.constant 0 : i32
    %c0_i32_0 = arith.constant 0 : i32
    %c0_i32_1 = arith.constant 0 : i32
    return %c0_i32, %c0_i32_0 : i32, i32
  }
  func.func @transform_3(%arg0: i32) -> (i32, i32) {
    %c0_i32 = arith.constant 0 : i32
    %c0_i32_0 = arith.constant 0 : i32
    %c0_i32_1 = arith.constant 0 : i32
    return %c0_i32, %c0_i32_0 : i32, i32
  }
  func.func @transform_4(%arg0: i32) -> (i32, i32) {
    %c0_i32 = arith.constant 0 : i32
    %c0_i32_0 = arith.constant 0 : i32
    %c0_i32_1 = arith.constant 0 : i32
    return %c0_i32, %c0_i32_0 : i32, i32
  }
  func.func @transform_5(%arg0: i32) -> (i32, i32) {
    %c0_i32 = arith.constant 0 : i32
    %c0_i32_0 = arith.constant 0 : i32
    %c0_i32_1 = arith.constant 0 : i32
    return %c0_i32, %c0_i32_0 : i32, i32
  }
  func.func @transform_6(%arg0: i32) -> (i32, i32) {
    %c0_i32 = arith.constant 0 : i32
    %c0_i32_0 = arith.constant 0 : i32
    %c0_i32_1 = arith.constant 0 : i32
    return %c0_i32, %c0_i32_0 : i32, i32
  }
  func.func @transform_7(%arg0: i32) -> (i32, i32) {
    %c0_i32 = arith.constant 0 : i32
    %c0_i32_0 = arith.constant 0 : i32
    %c0_i32_1 = arith.constant 0 : i32
    return %c0_i32, %c0_i32_0 : i32, i32
  }
  func.func @transform_8(%arg0: i32) -> (i32, i32) {
    %c0_i32 = arith.constant 0 : i32
    %c0_i32_0 = arith.constant 0 : i32
    %c0_i32_1 = arith.constant 0 : i32
    return %c0_i32, %c0_i32_0 : i32, i32
  }
  func.func @transform_9(%arg0: i32) -> (i32, i32) {
    %c0_i32 = arith.constant 0 : i32
    %c0_i32_0 = arith.constant 0 : i32
    %c0_i32_1 = arith.constant 0 : i32
    return %c0_i32, %c0_i32_0 : i32, i32
  }
  func.func @transform_10(%arg0: i32) -> (i32, i32) {
    %c0_i32 = arith.constant 0 : i32
    %c0_i32_0 = arith.constant 0 : i32
    return %arg0, %c0_i32 : i32, i32
  }
  func.func @transform_11(%arg0: i32) -> (i32, i32) {
    %c0_i32 = arith.constant 0 : i32
    %c0_i32_0 = arith.constant 0 : i32
    return %arg0, %c0_i32 : i32, i32
  }
}

module attributes {stable_mosaic.version = 14 : i64} {
  func.func @body(%arg0: i32, %arg1: memref<1000x128xf32, #tpu.memory_space<vmem>>, %arg2: memref<1000x128xf32, #tpu.memory_space<vmem>>, %arg3: memref<1000x128xf32, #tpu.memory_space<vmem>>, %arg4: memref<256x128xf32, #tpu.memory_space<vmem>>, %arg5: memref<1x128xf32, #tpu.memory_space<vmem>>, %arg6: memref<128x128xf32, #tpu.memory_space<vmem>>, %arg7: memref<1x128xf32, #tpu.memory_space<vmem>>, %arg8: memref<128x128xf32, #tpu.memory_space<vmem>>, %arg9: memref<1x128xf32, #tpu.memory_space<vmem>>, %arg10: memref<128x128xf32, #tpu.memory_space<vmem>>, %arg11: memref<1x128xf32, #tpu.memory_space<vmem>>, %arg12: memref<1000x128xf32, #tpu.memory_space<vmem>>) attributes {dimension_semantics = [#tpu.dimension_semantics<arbitrary>], iteration_bounds = array<i64: 10>, scalar_prefetch = 0 : i64, scratch_operands = 0 : i64, tpu.core_type = #tpu.core_type<tc>, window_params = [{transform_indices = @transform_0, window_bounds = array<i64: 1000, 128>}, {transform_indices = @transform_1, window_bounds = array<i64: 1000, 128>}, {transform_indices = @transform_2, window_bounds = array<i64: 1000, 128>}, {pipeline_mode = #tpu.pipeline_mode<synchronous>, transform_indices = @transform_3, window_bounds = array<i64: 256, 128>}, {pipeline_mode = #tpu.pipeline_mode<synchronous>, transform_indices = @transform_4, window_bounds = array<i64: 1, 128>}, {pipeline_mode = #tpu.pipeline_mode<synchronous>, transform_indices = @transform_5, window_bounds = array<i64: 128, 128>}, {pipeline_mode = #tpu.pipeline_mode<synchronous>, transform_indices = @transform_6, window_bounds = array<i64: 1, 128>}, {pipeline_mode = #tpu.pipeline_mode<synchronous>, transform_indices = @transform_7, window_bounds = array<i64: 128, 128>}, {pipeline_mode = #tpu.pipeline_mode<synchronous>, transform_indices = @transform_8, window_bounds = array<i64: 1, 128>}, {pipeline_mode = #tpu.pipeline_mode<synchronous>, transform_indices = @transform_9, window_bounds = array<i64: 128, 128>}, {pipeline_mode = #tpu.pipeline_mode<synchronous>, transform_indices = @transform_10, window_bounds = array<i64: 1, 128>}, {transform_indices = @transform_11, window_bounds = array<i64: 1000, 128>}]} {
    %get3A = arith.constant 0 : index
    %get3A_0 = arith.constant 0 : index
    %get3A_1 = vector.load %arg1[%get3A, %get3A_0] : memref<1000x128xf32, #tpu.memory_space<vmem>>, vector<1000x128xf32>
    %get3A_2 = arith.constant 0 : index
    %get3A_3 = arith.constant 0 : index
    %get3A_4 = vector.load %arg2[%get3A_2, %get3A_3] : memref<1000x128xf32, #tpu.memory_space<vmem>>, vector<1000x128xf32>
    %get3A_5 = arith.constant 0 : index
    %get3A_6 = arith.constant 0 : index
    %get3A_7 = vector.load %arg3[%get3A_5, %get3A_6] : memref<1000x128xf32, #tpu.memory_space<vmem>>, vector<1000x128xf32>
    %add3A = arith.addf %get3A_4, %get3A_7 : vector<1000x128xf32>
    %get3A_8 = arith.constant 0 : index
    %get3A_9 = arith.constant 0 : index
    %get3A_10 = vector.load %arg4[%get3A_8, %get3A_9] : memref<256x128xf32, #tpu.memory_space<vmem>>, vector<128x128xf32>
    %dot_general3A = arith.constant dense<0.000000e+00> : vector<1000x128xf32>
    %dot_general3A_11 = tpu.matmul %get3A_1, %get3A_10, %dot_general3A {dimension_numbers = #tpu.dot_dimension_numbers<[1], [0], [0], [1], [0, 0, 1, 1], [], []>, transpose_lhs_hint = false} : vector<1000x128xf32>, vector<128x128xf32>, vector<1000x128xf32> -> vector<1000x128xf32>
    %get3A_12 = arith.constant 128 : index
    %get3A_13 = arith.constant 0 : index
    %get3A_14 = vector.load %arg4[%get3A_12, %get3A_13] : memref<256x128xf32, #tpu.memory_space<vmem>>, vector<128x128xf32>
    %dot_general3A_15 = arith.constant dense<0.000000e+00> : vector<1000x128xf32>
    %dot_general3A_16 = tpu.matmul %add3A, %get3A_14, %dot_general3A_15 {dimension_numbers = #tpu.dot_dimension_numbers<[1], [0], [0], [1], [0, 0, 1, 1], [], []>, transpose_lhs_hint = false} : vector<1000x128xf32>, vector<128x128xf32>, vector<1000x128xf32> -> vector<1000x128xf32>
    %add3A_17 = arith.addf %dot_general3A_11, %dot_general3A_16 : vector<1000x128xf32>
    %get3A_18 = arith.constant 0 : index
    %get3A_19 = arith.constant 0 : index
    %get3A_20 = vector.load %arg5[%get3A_18, %get3A_19] : memref<1x128xf32, #tpu.memory_space<vmem>>, vector<1x128xf32>
    %add3A_21 = vector.broadcast %get3A_20 : vector<1x128xf32> to vector<1000x128xf32>
    %add3A_22 = arith.addf %add3A_17, %add3A_21 : vector<1000x128xf32>
    %max3A = arith.constant 0.000000e+00 : f32
    %max3A_23 = vector.broadcast %max3A : f32 to vector<1000x128xf32>
    %max3A_24 = arith.maximumf %add3A_22, %max3A_23 : vector<1000x128xf32>
    %get3A_25 = arith.constant 0 : index
    %get3A_26 = arith.constant 0 : index
    %get3A_27 = vector.load %arg6[%get3A_25, %get3A_26] : memref<128x128xf32, #tpu.memory_space<vmem>>, vector<128x128xf32>
    %dot_general3A_28 = arith.constant dense<0.000000e+00> : vector<1000x128xf32>
    %dot_general3A_29 = tpu.matmul %max3A_24, %get3A_27, %dot_general3A_28 {dimension_numbers = #tpu.dot_dimension_numbers<[1], [0], [0], [1], [0, 0, 1, 1], [], []>, transpose_lhs_hint = false} : vector<1000x128xf32>, vector<128x128xf32>, vector<1000x128xf32> -> vector<1000x128xf32>
    %get3A_30 = arith.constant 0 : index
    %get3A_31 = arith.constant 0 : index
    %get3A_32 = vector.load %arg7[%get3A_30, %get3A_31] : memref<1x128xf32, #tpu.memory_space<vmem>>, vector<1x128xf32>
    %add3A_33 = vector.broadcast %get3A_32 : vector<1x128xf32> to vector<1000x128xf32>
    %add3A_34 = arith.addf %dot_general3A_29, %add3A_33 : vector<1000x128xf32>
    %max3A_35 = arith.constant 0.000000e+00 : f32
    %max3A_36 = vector.broadcast %max3A_35 : f32 to vector<1000x128xf32>
    %max3A_37 = arith.maximumf %add3A_34, %max3A_36 : vector<1000x128xf32>
    %get3A_38 = arith.constant 0 : index
    %get3A_39 = arith.constant 0 : index
    %get3A_40 = vector.load %arg8[%get3A_38, %get3A_39] : memref<128x128xf32, #tpu.memory_space<vmem>>, vector<128x128xf32>
    %dot_general3A_41 = arith.constant dense<0.000000e+00> : vector<1000x128xf32>
    %dot_general3A_42 = tpu.matmul %max3A_37, %get3A_40, %dot_general3A_41 {dimension_numbers = #tpu.dot_dimension_numbers<[1], [0], [0], [1], [0, 0, 1, 1], [], []>, transpose_lhs_hint = false} : vector<1000x128xf32>, vector<128x128xf32>, vector<1000x128xf32> -> vector<1000x128xf32>
    %get3A_43 = arith.constant 0 : index
    %get3A_44 = arith.constant 0 : index
    %get3A_45 = vector.load %arg9[%get3A_43, %get3A_44] : memref<1x128xf32, #tpu.memory_space<vmem>>, vector<1x128xf32>
    %add3A_46 = vector.broadcast %get3A_45 : vector<1x128xf32> to vector<1000x128xf32>
    %add3A_47 = arith.addf %dot_general3A_42, %add3A_46 : vector<1000x128xf32>
    %max3A_48 = arith.constant 0.000000e+00 : f32
    %max3A_49 = vector.broadcast %max3A_48 : f32 to vector<1000x128xf32>
    %max3A_50 = arith.maximumf %add3A_47, %max3A_49 : vector<1000x128xf32>
    %get3A_51 = arith.constant 0 : index
    %get3A_52 = arith.constant 0 : index
    %get3A_53 = vector.load %arg10[%get3A_51, %get3A_52] : memref<128x128xf32, #tpu.memory_space<vmem>>, vector<128x128xf32>
    %dot_general3A_54 = arith.constant dense<0.000000e+00> : vector<1000x128xf32>
    %dot_general3A_55 = tpu.matmul %max3A_50, %get3A_53, %dot_general3A_54 {dimension_numbers = #tpu.dot_dimension_numbers<[1], [0], [0], [1], [0, 0, 1, 1], [], []>, transpose_lhs_hint = false} : vector<1000x128xf32>, vector<128x128xf32>, vector<1000x128xf32> -> vector<1000x128xf32>
    %add3A_56 = arith.addf %get3A_1, %dot_general3A_55 : vector<1000x128xf32>
    %get3A_57 = arith.constant 0 : index
    %get3A_58 = arith.constant 0 : index
    %get3A_59 = vector.load %arg11[%get3A_57, %get3A_58] : memref<1x128xf32, #tpu.memory_space<vmem>>, vector<1x128xf32>
    %add3A_60 = vector.broadcast %get3A_59 : vector<1x128xf32> to vector<1000x128xf32>
    %add3A_61 = arith.addf %add3A_56, %add3A_60 : vector<1000x128xf32>
    %swap3A = arith.constant 0 : index
    %swap3A_62 = arith.constant 0 : index
    %swap3A_63 = vector.load %arg12[%swap3A, %swap3A_62] : memref<1000x128xf32, #tpu.memory_space<vmem>>, vector<1000x128xf32>
    tpu.vector_store %arg12[%swap3A, %swap3A_62], %add3A_61 {strides = array<i32>} : memref<1000x128xf32, #tpu.memory_space<vmem>>, vector<1000x128xf32>,
    return
  }
  func.func @transform_0(%arg0: i32) -> (i32, i32) {
    %c0_i32 = arith.constant 0 : i32
    %c0_i32_0 = arith.constant 0 : i32
    return %arg0, %c0_i32 : i32, i32
  }
  func.func @transform_1(%arg0: i32) -> (i32, i32) {
    %c0_i32 = arith.constant 0 : i32
    %c0_i32_0 = arith.constant 0 : i32
    return %arg0, %c0_i32 : i32, i32
  }
  func.func @transform_2(%arg0: i32) -> (i32, i32) {
    %c0_i32 = arith.constant 0 : i32
    %c0_i32_0 = arith.constant 0 : i32
    return %arg0, %c0_i32 : i32, i32
  }
  func.func @transform_3(%arg0: i32) -> (i32, i32) {
    %c0_i32 = arith.constant 0 : i32
    %c0_i32_0 = arith.constant 0 : i32
    %c0_i32_1 = arith.constant 0 : i32
    return %c0_i32, %c0_i32_0 : i32, i32
  }
  func.func @transform_4(%arg0: i32) -> (i32, i32) {
    %c0_i32 = arith.constant 0 : i32
    %c0_i32_0 = arith.constant 0 : i32
    %c0_i32_1 = arith.constant 0 : i32
    return %c0_i32, %c0_i32_0 : i32, i32
  }
  func.func @transform_5(%arg0: i32) -> (i32, i32) {
    %c0_i32 = arith.constant 0 : i32
    %c0_i32_0 = arith.constant 0 : i32
    %c0_i32_1 = arith.constant 0 : i32
    return %c0_i32, %c0_i32_0 : i32, i32
  }
  func.func @transform_6(%arg0: i32) -> (i32, i32) {
    %c0_i32 = arith.constant 0 : i32
    %c0_i32_0 = arith.constant 0 : i32
    %c0_i32_1 = arith.constant 0 : i32
    return %c0_i32, %c0_i32_0 : i32, i32
  }
  func.func @transform_7(%arg0: i32) -> (i32, i32) {
    %c0_i32 = arith.constant 0 : i32
    %c0_i32_0 = arith.constant 0 : i32
    %c0_i32_1 = arith.constant 0 : i32
    return %c0_i32, %c0_i32_0 : i32, i32
  }
  func.func @transform_8(%arg0: i32) -> (i32, i32) {
    %c0_i32 = arith.constant 0 : i32
    %c0_i32_0 = arith.constant 0 : i32
    %c0_i32_1 = arith.constant 0 : i32
    return %c0_i32, %c0_i32_0 : i32, i32
  }
  func.func @transform_9(%arg0: i32) -> (i32, i32) {
    %c0_i32 = arith.constant 0 : i32
    %c0_i32_0 = arith.constant 0 : i32
    %c0_i32_1 = arith.constant 0 : i32
    return %c0_i32, %c0_i32_0 : i32, i32
  }
  func.func @transform_10(%arg0: i32) -> (i32, i32) {
    %c0_i32 = arith.constant 0 : i32
    %c0_i32_0 = arith.constant 0 : i32
    %c0_i32_1 = arith.constant 0 : i32
    return %c0_i32, %c0_i32_0 : i32, i32
  }
  func.func @transform_11(%arg0: i32) -> (i32, i32) {
    %c0_i32 = arith.constant 0 : i32
    %c0_i32_0 = arith.constant 0 : i32
    return %arg0, %c0_i32 : i32, i32
  }
}

</mosaic_0001>

<sc_bundles>
// kernel: kernel.10.cloned.1.call-start
scs
__scs_entry_jumppad:
0x0: {  	(pc) =	sbr.rel $0x88, $3  }
0x1: {  	(tag) =	ssettag $0x0;
	lr =	simm.s32 $0x1  }
0x2: {  	[smem:$0x3F8E] =	sst lr;
	_ =	strace $0xD0000000  }
0x3: {  	_ = 	snop  }
0x4: {  	_ = 	snop  }
0x5: {  	_ = 	snop  }
0x6: {  	_ = 	snop  }
0x7: {  	_ = 	snop  }
__scs_overlays_trampoline_lowered:
0x8: {  	[smem:$0x3F9D] =	sst s0  }
0x9: {  	[smem:$0x3F9E] =	sst s1  }
0xa: {  	[smem:$0x3F9F] =	sst s2  }
0xb: {  	[smem:$0x3FA0] =	sst s3  }
0xc: {  	[smem:$0x3FA1] =	sst s4  }
0xd: {  	[smem:$0x3FA2] =	sst s5  }
0xe: {  	[smem:$0x3FA3] =	sst s6  }
0xf: {  	[smem:$0x3FA4] =	sst s7  }
0x10: {  	[smem:$0x3FA5] =	sst s8  }
0x11: {  	[smem:$0x3FA6] =	sst s9;
	s0 =	simm.s32 @!p0 $0x0  }
0x12: {  	s1 =	sld [smem:$0x3F8C];
	s0 =	simm.s32 @p0 $0x1  }
0x13: {  	[smem:$0x3FA7] =	sst s0;
	s0 =	simm.s32 @!p1 $0x0  }
0x14: {  	s2 =	sld [smem:$0x3F8B];
	s0 =	simm.s32 @p1 $0x1  }
0x15: {  	[smem:$0x3FA8] =	sst s0;
	s0 =	simm.s32 @!p2 $0x0  }
0x16: {  	s3 =	sld [smem:$0x3FDB];
	s0 =	simm.s32 @p2 $0x1  }
0x17: {  	s4 =	simm.s32 $0x1BF5;
	[smem:$0x3FAA] =	sst s0  }
0x18: {  	s0 =	sld [smem:$0x3F8D];
	_ =	swait.ge [sflag:s4], $0x0  }
0x19: {  	s7 =	sld [smem:$0x3F8E]  }
0x1a: {  	s8 =	sadd.s32 $0xFFFFE003, lr  }
0x1b: {  	s9 =	sadd.s32 $0xFFFFFEF7, lr;
	s5 =	simm.s32 $0xFFFFFFFF;
	p2 =	slt.u32 s8, $0xFFFFF086  }
0x1c: {  	p1 =	slt.u32 s9, $0xF7A;
	s5 =	simm.s32 @!p2 $0x0  }
0x1d: {  	s5 =	simm.s32 @p1 $0x1;
	p0 =	seq.s32 s7, s2  }
0x1e: {  	s7 =	smul.u32 @!p0 $0xF7A, s2;
	p2 =	seq.s32 @!p0 s5, $0x0  }
0x1f: {  	s9 =	smul.u32 $0xF7A, s1;
	s8 =	simm.s32 @!p0 $0x1BF5;
	p2 =	por !p2, p0  }
0x20: {  	[sflag:s8] =	ssyncset.s32 @!p0 $0xFFFFF086;
	s6 =	sadd.s32 @!p0 s3, s7;
	s7 =	simm.s32 @!p0 $0x108  }
0x21: {  	s3 =	sadd.s32 s3, s9;
	s6 =	sadd.s32 @!p0 $0x88, s6;
	s7 =	simm.s32 @p2 $0x1082  }
0x22: {  	[simem:s7], [sflag:s8] =	dma.local @!p0 [hbm:s6], $0xF7A  }
0x23: {  	s9 =	sor.u32 $0xD0000000, s2;
	s6 =	simm.s32 $0x108;
	_ =	swait.ge @!p0 [sflag:s8], $0x0  }
0x24: {  	s3 =	sadd.s32 $0x88, s3;
	s6 =	simm.s32 @!p1 $0x1082;
	[sflag:s4] =	ssyncset.s32 $0xFFFFF086  }
0x25: {  	[simem:s6], [sflag:s4] =	dma.local [hbm:s3], $0xF7A  }
0x26: {  	[smem:$0x3F8E] =	sst s1;
	(tag) =	ssettag s2;
	_ =	strace s9  }
0x27: {  	s1 =	sld [smem:$0x3F9E]  }
0x28: {  	s2 =	sld [smem:$0x3F9F]  }
0x29: {  	s4 =	sld [smem:$0x3FA1]  }
0x2a: {  	p0 =	seq.s32 s5, $0x0;
	s5 =	sld [smem:$0x3FA2]  }
0x2b: {  	s6 =	sld [smem:$0x3FA3]  }
0x2c: {  	s7 =	sld [smem:$0x3FA4]  }
0x2d: {  	s3 =	simm.s32 $0x108;
	s8 =	sld [smem:$0x3FA5]  }
0x2e: {  	s3 =	simm.s32 @!p0 $0x1082;
	s9 =	sld [smem:$0x3FA6]  }
0x2f: {  	lr =	sadd.s32 s0, s3;
	s0 =	sld [smem:$0x3F9D]  }
0x30: {  	s3 =	sld [smem:$0x3FA0]  }
0x31: {  	[smem:$0x3FA9] =	sst s10  }
0x32: {  	s10 =	sld [smem:$0x3FA7];
	_ =	sdelay $0x3  }
0x33: {  	p0 =	seq.s32 s10, $0x1;
	s10 =	sld [smem:$0x3FA9];
	_ =	sdelay $0x3  }
0x34: {  	[smem:$0x3FA9] =	sst s10  }
0x35: {  	s10 =	sld [smem:$0x3FA8];
	_ =	sdelay $0x3  }
0x36: {  	p1 =	seq.s32 s10, $0x1;
	s10 =	sld [smem:$0x3FA9];
	_ =	sdelay $0x3  }
0x37: {  	[smem:$0x3FA9] =	sst s10  }
0x38: {  	s10 =	sld [smem:$0x3FAA]  }
0x39: {  	_ = 	snop;
	(pc) =	sbr.ind lr, $3  }
0x3a: {  	_ = 	snop  }
0x3b: {  	_ = 	snop  }
0x3c: {  	p2 =	seq.s32 s10, $0x1;
	s10 =	sld [smem:$0x3FA9]  }
0x3d: {  	_ =	shalt  }
0x3e: {  	_ =	shalt  }
0x3f: {  	_ =	shalt  }
0x40: {  	_ =	shalt  }
0x41: {  	_ =	shalt  }
0x42: {  	_ =	shalt  }
0x43: {  	_ =	shalt  }
0x44: {  	_ =	shalt  }
0x45: {  	_ =	shalt  }
0x46: {  	_ =	shalt  }
0x47: {  	_ =	shalt  }
0x48: {  	_ =	shalt  }
0x49: {  	_ =	shalt  }
0x4a: {  	_ =	shalt  }
0x4b: {  	_ =	shalt  }
0x4c: {  	_ =	shalt  }
0x4d: {  	_ =	shalt  }
0x4e: {  	_ =	shalt  }
0x4f: {  	_ =	shalt  }
0x50: {  	_ =	shalt  }
0x51: {  	_ =	shalt  }
0x52: {  	_ =	shalt  }
0x53: {  	_ =	shalt  }
0x54: {  	_ =	shalt  }
0x55: {  	_ =	shalt  }
0x56: {  	_ =	shalt  }
0x57: {  	_ =	shalt  }
0x58: {  	_ =	shalt  }
0x59: {  	_ =	shalt  }
0x5a: {  	_ =	shalt  }
0x5b: {  	_ =	shalt  }
0x5c: {  	_ =	shalt  }
0x5d: {  	_ =	shalt  }
0x5e: {  	_ =	shalt  }
0x5f: {  	_ =	shalt  }
0x60: {  	_ =	shalt  }
0x61: {  	_ =	shalt  }
0x62: {  	_ =	shalt  }
0x63: {  	_ =	shalt  }
0x64: {  	_ =	shalt  }
0x65: {  	_ =	shalt  }
0x66: {  	_ =	shalt  }
0x67: {  	_ =	shalt  }
0x68: {  	_ =	shalt  }
0x69: {  	_ =	shalt  }
0x6a: {  	_ =	shalt  }
0x6b: {  	_ =	shalt  }
0x6c: {  	_ =	shalt  }
0x6d: {  	_ =	shalt  }
0x6e: {  	_ =	shalt  }
0x6f: {  	_ =	shalt  }
0x70: {  	_ =	shalt  }
0x71: {  	_ =	shalt  }
0x72: {  	_ =	shalt  }
0x73: {  	_ =	shalt  }
0x74: {  	_ =	shalt  }
0x75: {  	_ =	shalt  }
0x76: {  	_ =	shalt  }
0x77: {  	_ =	shalt  }
0x78: {  	_ =	shalt  }
0x79: {  	_ =	shalt  }
0x7a: {  	_ =	shalt  }
0x7b: {  	_ =	shalt  }
0x7c: {  	_ =	shalt  }
0x7d: {  	_ =	shalt  }
0x7e: {  	_ =	shalt  }
0x7f: {  	_ =	shalt  }
0x80: {  	_ =	shalt  }
0x81: {  	_ =	shalt  }
0x82: {  	_ =	shalt  }
0x83: {  	_ =	shalt  }
0x84: {  	_ =	shalt  }
0x85: {  	_ =	shalt  }
0x86: {  	_ =	shalt  }
0x87: {  	_ =	shalt  }
.Lfunc_end0:
.L_simem_size_0:
called_computation.1_lowered:
.L_overlay_start_0:
0x88: {  	s2 =	sld [smem:$0x3FD9]  }
0x89: {  	s3 =	sld [smem:$0x3FFE];
	_ =	sdelay $0x1  }
0x8a: {  	s1 =	srdreg.scid  }
0x8b: {  	s0 =	sand.u32 $0x1, s1  }
0x8c: {  	s16 =	sshll.u32 s0, $0xA;
	s2 =	sadd.s32 s3, s2  }
0x8d: {  	s2 =	sadd.s32 s2, s16  }
0x8e: {  	[smem:$0x3FB5] =	sst s2  }
0x8f: {  	_ = 	snop  }
0x90: {  	(tm) =	ssettm $0x1  }
0x91: {  	s17 =	sld [smem:$0x3FFB];
	_ =	sdelay $0x3  }
0x92: {  	_ =	strace s17  }
0x93: {  	s2 =	sld [smem:$0x3FFC];
	_ =	sdelay $0x3  }
0x94: {  	_ =	strace s2  }
0x95: {  	s2 =	sld [smem:$0x3FFD];
	_ =	sdelay $0x3  }
0x96: {  	_ =	strace s2  }
0x97: {  	_ =	strace $0x8FFFFFFF  }
0x98: {  	s18 =	sld [smem:$0x3FDB];
	_ =	sdelay $0x1  }
0x99: {  	s19 =	simm.s32 $_scs_section_size  }
0x9a: {  	s4 =	simm.s32 $_size__tile_overlayer_lowered;
	s5 =	simm.s32 $_tile_overlayer_lowered  }
0x9b: {  	s22 =	simm.s32 $0x1BFF;
	s21 =	sshll.u32 s5, $0x1;
	s2 =	sadd.s32 s19, s18  }
0x9c: {  	s6 =	simm.s32 $0x0;
	s20 =	sshll.u32 s4, $0x1;
	s4 =	sadd.s32 s21, s2  }
0x9d: {  	[timem:s6], [sflag:s22] =	dma.local [hbm:s4], s20  }
0x9e: {  	_ =	swait.ge [sflag:s22], s20  }
0x9f: {  	s3 =	ssub.s32 $0x0, s20;
	[sflag:s22] =	ssyncset.done $0x0  }
0xa0: {  	[sflag:s22] =	ssyncadd.s32 s3;
	_ =	sdelay $0x1  }
0xa1: {  	s23 =	simm.s32 $0x1B8B  }
0xa2: {  	_ =	swait.ge [sflag:s23], $0x1  }
0xa3: {  	[sflag:s23] =	ssyncset.done $0x0  }
0xa4: {  	s25 =	simm.s32 $0x1B8E;
	s24 =	sld [smem:$0x3FFE];
	[sflag:s23] =	ssyncadd.s32 $0xFFFFFFFF  }
0xa5: {  	s26 =	simm.s32 $execute0_lowered;
	[smem:$0x3FD2] =	sst s25  }
0xa6: {  	s4 =	sshll.u32 s26, $0x1;
	_ =	strace $0x80000049;
	[dreg:$0x1] =	wrdreg $0xFFFFFFFF  }
0xa7: {  	s28 =	simm.s32 $_size_execute0_lowered;
	s2 =	sadd.s32 s2, s4;
	[dreg:$0x0] =	wrdreg $0x0  }
0xa8: {  	s4 =	sshll.u32 s28, $0x1;
	[dreg:$0x2] =	wrdreg s2  }
0xa9: {  	[dreg:$0x3] =	wrdreg s4  }
0xaa: {  	[dreg:$0x4] =	wrdreg $0xC0  }
0xab: {  	_ =	task [dreg:s6], $0x5FFFF  }
0xac: {  	[dreg:$0x1] =	wrdreg $0xFFFFFFFF  }
0xad: {  	[dreg:$0x0] =	wrdreg $0x60  }
0xae: {  	[dreg:$0x2] =	wrdreg s24  }
0xaf: {  	[dreg:$0x3] =	wrdreg $0x81000  }
0xb0: {  	[dreg:$0x4] =	wrdreg $0x9  }
0xb1: {  	_ =	task.clear_ibuf [dreg:s6], $0x5FFFF;
	_ =	strace $0x90000049  }
0xb2: {  	s29 =	simm.s32 $0x9;
	_ =	strace $0x8000004B  }
0xb3: {  	_ =	swait.ge [sflag:s29], $0x1  }
0xb4: {  	[sflag:s29] =	ssyncadd.s32 $0xFFFFFFFF  }
0xb5: {  	_ =	strace $0x9000004B  }
0xb6: {  	_ =	sfence  }
0xb7: {  	s30 =	sld [smem:$0x0];
	_ =	sdelay $0x2  }
0xb8: {  	s31 =	sshll.u32 s1, $0xD;
	s1 =	sshrl.u32 s1, $0x2  }
0xb9: {  	s3 =	sand.u32 $0x4000, s31;
	s1 =	sadd.s32 s1, s30  }
0xba: {  	s0 =	sor.u32 s3, s0;
	s1 =	sshll.u32 s1, $0x11  }
0xbb: {  	s0 =	sor.u32 s1, s0  }
0xbc: {  	s0 =	sadd.s32 $0x8F2B, s0  }
0xbd: {  	[sflag:s0] =	ssyncadd.remote.s32 $0x1  }
0xbe: {  	_ =	sfence.sel $0xFFFF  }
0xbf: {  	[dreg:$0x0] =	wrdreg $0xFFFFFFFF;
	(pc) =	sbr.abs _section_cstart, $3  }
0xc0: {  	[dreg:$0x1] =	wrdreg $0xFFFFFFFF  }
0xc1: {  	_ =	task.clear_ibuf [dreg:s6], $0x2FFFF;
	_ =	strace $0x9FFFFFFF  }
0xc2: {  	(tm) =	ssettm $0x7FFFFFFF  }
0xc3: {  	_ =	shalt  }
tec
execute0_lowered:
.L_overlay_start_1:
0x0: {  	(tag) =	ssettag $0x1  }
0x1: {  	s4 =	rddreg [dreg:$0x0]  }
0x2: {  	s2 =	rddreg [dreg:$0x1]  }
0x3: {  	s0 =	rddreg [dreg:$0x2];
	s5 =	srdreg.scid  }
0x4: {  	s3 =	simm.s32 $0x0;
	s1 =	stileid.u32;
	s10 =	sand.u32 $0x1, s5  }
0x5: {  	[smem:$0x7FF] =	sst s3;
	s25 =	sshll.u32 s1, $0x6;
	s7 =	smul.u32 $0x13C00, s1  }
0x6: {  	s8 =	sshll.u32 s1, $0xD;
	s13 =	smul.u32 $0x4F000, s1;
	s29 =	sshll.u32 s1, $0x1  }
0x7: {  	s6 =	sshll.u32 s10, $0x5;
	_ =	strace $0x8000004A;
	s11 =	smul.u32 $0x13C000, s10  }
0x8: {  	s8 =	sadd.s32 s8, s4;
	s26 =	ssub.s32 $0x2, s10;
	s5 =	sor.u32 $0x1C01, s25  }
0x9: {  	s31 =	sshll.u32 s10, $0xC;
	s10 =	sor.u32 s10, s29;
	s6 =	sor.u32 s6, s25  }
0xa: {  	s12 =	sshrl.u32 s7, $0x3;
	s14 =	sshrl.u32 s26, $0x1;
	s28 =	sshrl.u32 s13, $0x2  }
0xb: {  	s8 =	sadd.s32 s31, s8;
	s9 =	sand.u32 $0x380, s6;
	s7 =	sadd.s32 s7, s11  }
0xc: {  	s12 =	sadd.s32 s12, s4;
	s11 =	ssub.s32 s26, s14;
	s30 =	sadd.s32 s28, s2  }
0xd: {  	s15 =	sand.u32 $0x60, s6;
	s8 =	sadd.s32 $0x17000, s8;
	s7 =	sshrl.u32 s7, $0x3  }
0xe: {  	s9 =	sadd.s32 s9, s4;
	s7 =	sadd.s32 s7, s4;
	s4 =	sadd.s32 $0x4F9000, s12  }
0xf: {  	s9 =	sadd.s32 s15, s9;
	s12 =	simm.s32 $0x1;
	s6 =	sadd.s32 $0x520800, s7  }
0x10: {  	s7 =	smax.u32 s11, $0x1;
	s9 =	sadd.s32 $0xD000, s9;
	s11 =	sshrl.u32 s30, $0x3  }
.LBB2_1:
0x11: {  	[spmem:s11], [sflag:s5] =	dma.local [hbm:s4], $0x2780  }
0x12: {  	s13 =	sadd.s32 $0x0, s10;
	_ =	swait.ge [sflag:s12], $0x2780  }
0x13: {  	p0 =	sgt.u32 s13, $0x4E1;
	[sflag:s12] =	ssyncset.done $0x0  }
0x14: {  	s13 =	simm.s32 @!p0 $0x0;
	[sflag:s12] =	ssyncadd.s32 $0xFFFFD880  }
0x15: {  	s14 =	simm.s32 @!p0 $0x100;
	s15 =	simm.s32 @!p0 $0x2;
	[bflag:$0x0] =	sbarrier.arrive $0xFFFF  }
0x16: {  	[tilespmem:s14], [sflag:$0x2] =	stream.linear.gather @!p0 [hbm4b:s8+s13], $0x8000, $0x38;
	[tilespmem:$0x1BD00] =	vst v63  }
0x17: {  	_ =	swait.ge @!p0 [sflag:s15], $0x8000;
	p0 =	por p0, p0  }
0x18: {  	[sflag:s15] =	ssyncset.done @!p0 $0x0  }
0x19: {  	[sflag:s15] =	ssyncadd.s32 @!p0 $0xFFFF8000  }
0x1a: {  	[tilespmem:s13], [sflag:$0x2] =	stream.linear.gather @!p0 [hbm4b:s9+s13], $0x100, $0x38;
	[tilespmem:$0x1BD00] =	vst v63  }
0x1b: {  	_ =	swait.ge @!p0 [sflag:s15], $0x100  }
0x1c: {  	[sflag:s15] =	ssyncset.done @!p0 $0x0  }
0x1d: {  	s16 =	simm.s32 @!p0 $0x80;
	[sflag:s15] =	ssyncadd.s32 @!p0 $0xFFFFFF00  }
0x1e: {  	[spmem:s2] =	stream.indirect.scatter.add.f32 @!p0 [tilespmem:s14], [sflag:$0x2], $0x80, s13, s16, $0xb8;
	[tilespmem:$0x1BD00] =	vst v63  }
0x1f: {  	_ =	swait.ge @!p0 [sflag:s15], $0x4000  }
0x20: {  	[sflag:s15] =	ssyncset.done @!p0 $0x0  }
0x21: {  	s31 =	sadd.s32 $0x20, s10;
	s13 =	simm.s32 @!p0 $0x4100;
	[sflag:s15] =	ssyncadd.s32 @!p0 $0xFFFFC000  }
0x22: {  	[spmem:s2] =	stream.indirect.scatter.add.f32 @!p0 [tilespmem:s13], [sflag:$0x1], $0x80, s16, s16, $0xb8;
	[tilespmem:$0x1BD00] =	vst v63  }
0x23: {  	p2 =	sgt.u32 s31, $0x4E1;
	s14 =	simm.s32 $0x40;
	s16 =	simm.s32 @!p0 $0x1  }
0x24: {  	s15 =	sadd.s32 $0x20000, s8;
	s13 =	sadd.s32 $0x400, s9;
	_ =	swait.ge @!p0 [sflag:s16], $0x4000  }
.LBB2_2:
0x25: {  	s17 =	simm.s32 @!p2 $0x0  }
0x26: {  	s18 =	simm.s32 @!p2 $0x100;
	[sflag:s16] =	ssyncset.done @!p0 $0x0;
	s19 =	smov.u32 s14  }
0x27: {  	s14 =	sadd.s32 $0x20, s14;
	s20 =	simm.s32 @!p2 $0x2;
	[sflag:s16] =	ssyncadd.s32 @!p0 $0xFFFFC000  }
0x28: {  	[tilespmem:s18], [sflag:$0x2] =	stream.linear.gather @!p2 [hbm4b:s15+s17], $0x8000, $0x38;
	[tilespmem:$0x1BD00] =	vst v63  }
0x29: {  	p1 =	sne.s32 s14, $0x500;
	p0 =	por p2, p2;
	_ =	swait.ge @!p2 [sflag:s20], $0x8000  }
0x2a: {  	[sflag:s20] =	ssyncset.done @!p0 $0x0  }
0x2b: {  	[sflag:s20] =	ssyncadd.s32 @!p0 $0xFFFF8000  }
0x2c: {  	[tilespmem:s17], [sflag:$0x2] =	stream.linear.gather @!p0 [hbm4b:s13+s17], $0x100, $0x38;
	[tilespmem:$0x1BD00] =	vst v63  }
0x2d: {  	_ =	swait.ge @!p0 [sflag:s20], $0x100  }
0x2e: {  	[sflag:s20] =	ssyncset.done @!p0 $0x0  }
0x2f: {  	s21 =	simm.s32 @!p0 $0x80;
	[sflag:s20] =	ssyncadd.s32 @!p0 $0xFFFFFF00  }
0x30: {  	[spmem:s2] =	stream.indirect.scatter.add.f32 @!p0 [tilespmem:s18], [sflag:$0x2], $0x80, s17, s21, $0xb8;
	[tilespmem:$0x1BD00] =	vst v63  }
.Ltmp0:
0x31: {  	_ =	swait.ge @!p0 [sflag:s20], $0x4000;
	(pc) =	sbr.rel @p1 .LBB2_2-.Ltmp0, $4  }
0x32: {  	s16 =	simm.s32 @!p0 $0x1;
	s13 =	sadd.s32 $0x400, s13;
	[sflag:s20] =	ssyncset.done @!p0 $0x0  }
0x33: {  	s17 =	sadd.s32 s19, s10;
	s18 =	simm.s32 @!p0 $0x4100;
	[sflag:s20] =	ssyncadd.s32 @!p0 $0xFFFFC000  }
0x34: {  	[spmem:s2] =	stream.indirect.scatter.add.f32 @!p0 [tilespmem:s18], [sflag:$0x1], $0x80, s21, s21, $0xb8;
	[tilespmem:$0x1BD00] =	vst v63  }
0x35: {  	s15 =	sadd.s32 $0x20000, s15;
	p2 =	sgt.u32 s17, $0x4E1;
	_ =	swait.ge @!p0 [sflag:s16], $0x4000  }
0x36: {  	s14 =	simm.s32 @!p2 $0x0;
	[sflag:s16] =	ssyncset.done @!p0 $0x0  }
0x37: {  	s17 =	simm.s32 @!p2 $0x100;
	s18 =	simm.s32 @!p2 $0x2;
	[sflag:s16] =	ssyncadd.s32 @!p0 $0xFFFFC000  }
0x38: {  	[tilespmem:s17], [sflag:$0x2] =	stream.linear.gather @!p2 [hbm4b:s15+s14], $0x8000, $0x38;
	[tilespmem:$0x1BD00] =	vst v63  }
0x39: {  	p0 =	por p2, p2;
	_ =	swait.ge @!p2 [sflag:s18], $0x8000  }
0x3a: {  	[sflag:s18] =	ssyncset.done @!p0 $0x0  }
0x3b: {  	[sflag:s18] =	ssyncadd.s32 @!p0 $0xFFFF8000  }
0x3c: {  	[tilespmem:s14], [sflag:$0x2] =	stream.linear.gather @!p0 [hbm4b:s13+s14], $0x100, $0x38;
	[tilespmem:$0x1BD00] =	vst v63  }
0x3d: {  	_ =	swait.ge @!p0 [sflag:s18], $0x100  }
0x3e: {  	[sflag:s18] =	ssyncset.done @!p0 $0x0  }
0x3f: {  	s13 =	simm.s32 @!p0 $0x80;
	[sflag:s18] =	ssyncadd.s32 @!p0 $0xFFFFFF00  }
0x40: {  	[spmem:s2] =	stream.indirect.scatter.add.f32 @!p0 [tilespmem:s17], [sflag:$0x2], $0x80, s14, s13, $0xb8;
	[tilespmem:$0x1BD00] =	vst v63  }
0x41: {  	_ =	swait.ge @!p0 [sflag:s18], $0x4000  }
0x42: {  	[sflag:s18] =	ssyncset.done @!p0 $0x0  }
0x43: {  	s15 =	simm.s32 @!p0 $0x4100;
	s14 =	simm.s32 @!p0 $0x1;
	[sflag:s18] =	ssyncadd.s32 @!p0 $0xFFFFC000  }
0x44: {  	[spmem:s2] =	stream.indirect.scatter.add.f32 @!p0 [tilespmem:s15], [sflag:$0x1], $0x80, s13, s13, $0xb8;
	[tilespmem:$0x1BD00] =	vst v63  }
0x45: {  	_ =	swait.ge @!p0 [sflag:s14], $0x4000  }
0x46: {  	s3 =	sadd.s32 $0x1, s3;
	[sflag:s14] =	ssyncset.done @!p0 $0x0  }
0x47: {  	[sflag:s14] =	ssyncadd.s32 @!p0 $0xFFFFC000;
	p0 =	sne.s32 s3, s7  }
.Ltmp1:
0x48: {  	[bflag:$0x0] =	sbarrier.arrive $0xFFFF;
	(pc) =	sbr.rel @p0 .LBB2_1-.Ltmp1, $4  }
0x49: {  	[hbm:s6], [sflag:s5] =	dma.local [spmem:s11], $0x2780  }
0x4a: {  	_ =	swait.ge [sflag:s12], $0x2780  }
0x4b: {  	[sflag:s12] =	ssyncset.done $0x0  }
0x4c: {  	[sflag:s12] =	ssyncadd.s32 $0xFFFFD880  }
0x4d: {  	_ =	sfence.sel $0x180000  }
0x4e: {  	[bflag:$0x0] =	sbarrier.arrive $0xFFFF  }
0x4f: {  	p0 =	sne.s32 s1, $0x0;
	_ =	strace $0x9000004A  }
0x50: {  	s0 =	sadd.s32 @!p0 $0x100000, s0;
	[bflag:$0x2] =	sbarrier.arrive $0xFFFF  }
0x51: {  	[sflag:s0] =	ssyncadd.tile.s32 @!p0 $0x1;
	_ =	shalt  }
.Lfunc_end2:
_tile_overlayer_lowered:
.L_overlay_start_2:
0x52: {  	(tag) =	ssettag $0x2  }
0x53: {  	s0 =	rddreg [dreg:$0x0];
	s2 =	stileid.u32  }
0x54: {  	s1 =	rddreg [dreg:$0x1];
	p0 =	sne.s32 s2, $0x0  }
0x55: {  	s3 =	rddreg [dreg:$0x2];
	[bflag:$0x3] =	sbarrier.arrive $0xFFFF;
	s2 =	simm.s32 @!p0 $0x1C01  }
0x56: {  	[timem:s3], [sflag:s2] =	dma.local @!p0 [hbm:s0], s1  }
0x57: {  	s0 =	simm.s32 @!p0 $0x1  }
0x58: {  	_ =	swait.ge @!p0 [sflag:s0], s1  }
0x59: {  	s1 =	ssub.s32 @!p0 $0x0, s1;
	[sflag:s0] =	ssyncset.done @!p0 $0x0  }
0x5a: {  	[sflag:s0] =	ssyncadd.s32 @!p0 s1  }
0x5b: {  	[bflag:$0x3] =	sbarrier.arrive $0xFFFF  }
0x5c: {  	_ =	shalt  }

// kernel: kernel.7.cloned.1.call-start
scs
__scs_entry_jumppad:
0x0: {  	(pc) =	sbr.rel $0x88, $3  }
0x1: {  	(tag) =	ssettag $0x0;
	lr =	simm.s32 $0x1  }
0x2: {  	[smem:$0x3F8E] =	sst lr;
	_ =	strace $0xD0000000  }
0x3: {  	_ = 	snop  }
0x4: {  	_ = 	snop  }
0x5: {  	_ = 	snop  }
0x6: {  	_ = 	snop  }
0x7: {  	_ = 	snop  }
__scs_overlays_trampoline_lowered:
0x8: {  	[smem:$0x3F9D] =	sst s0  }
0x9: {  	[smem:$0x3F9E] =	sst s1  }
0xa: {  	[smem:$0x3F9F] =	sst s2  }
0xb: {  	[smem:$0x3FA0] =	sst s3  }
0xc: {  	[smem:$0x3FA1] =	sst s4  }
0xd: {  	[smem:$0x3FA2] =	sst s5  }
0xe: {  	[smem:$0x3FA3] =	sst s6  }
0xf: {  	[smem:$0x3FA4] =	sst s7  }
0x10: {  	[smem:$0x3FA5] =	sst s8  }
0x11: {  	[smem:$0x3FA6] =	sst s9;
	s0 =	simm.s32 @!p0 $0x0  }
0x12: {  	s1 =	sld [smem:$0x3F8C];
	s0 =	simm.s32 @p0 $0x1  }
0x13: {  	[smem:$0x3FA7] =	sst s0;
	s0 =	simm.s32 @!p1 $0x0  }
0x14: {  	s2 =	sld [smem:$0x3F8B];
	s0 =	simm.s32 @p1 $0x1  }
0x15: {  	[smem:$0x3FA8] =	sst s0;
	s0 =	simm.s32 @!p2 $0x0  }
0x16: {  	s3 =	sld [smem:$0x3FDB];
	s0 =	simm.s32 @p2 $0x1  }
0x17: {  	s4 =	simm.s32 $0x1BF5;
	[smem:$0x3FAA] =	sst s0  }
0x18: {  	s0 =	sld [smem:$0x3F8D];
	_ =	swait.ge [sflag:s4], $0x0  }
0x19: {  	s7 =	sld [smem:$0x3F8E]  }
0x1a: {  	s8 =	sadd.s32 $0xFFFFE003, lr  }
0x1b: {  	s9 =	sadd.s32 $0xFFFFFEF7, lr;
	s5 =	simm.s32 $0xFFFFFFFF;
	p2 =	slt.u32 s8, $0xFFFFF086  }
0x1c: {  	p1 =	slt.u32 s9, $0xF7A;
	s5 =	simm.s32 @!p2 $0x0  }
0x1d: {  	s5 =	simm.s32 @p1 $0x1;
	p0 =	seq.s32 s7, s2  }
0x1e: {  	s7 =	smul.u32 @!p0 $0xF7A, s2;
	p2 =	seq.s32 @!p0 s5, $0x0  }
0x1f: {  	s9 =	smul.u32 $0xF7A, s1;
	s8 =	simm.s32 @!p0 $0x1BF5;
	p2 =	por !p2, p0  }
0x20: {  	[sflag:s8] =	ssyncset.s32 @!p0 $0xFFFFF086;
	s6 =	sadd.s32 @!p0 s3, s7;
	s7 =	simm.s32 @!p0 $0x108  }
0x21: {  	s3 =	sadd.s32 s3, s9;
	s6 =	sadd.s32 @!p0 $0x88, s6;
	s7 =	simm.s32 @p2 $0x1082  }
0x22: {  	[simem:s7], [sflag:s8] =	dma.local @!p0 [hbm:s6], $0xF7A  }
0x23: {  	s9 =	sor.u32 $0xD0000000, s2;
	s6 =	simm.s32 $0x108;
	_ =	swait.ge @!p0 [sflag:s8], $0x0  }
0x24: {  	s3 =	sadd.s32 $0x88, s3;
	s6 =	simm.s32 @!p1 $0x1082;
	[sflag:s4] =	ssyncset.s32 $0xFFFFF086  }
0x25: {  	[simem:s6], [sflag:s4] =	dma.local [hbm:s3], $0xF7A  }
0x26: {  	[smem:$0x3F8E] =	sst s1;
	(tag) =	ssettag s2;
	_ =	strace s9  }
0x27: {  	s1 =	sld [smem:$0x3F9E]  }
0x28: {  	s2 =	sld [smem:$0x3F9F]  }
0x29: {  	s4 =	sld [smem:$0x3FA1]  }
0x2a: {  	p0 =	seq.s32 s5, $0x0;
	s5 =	sld [smem:$0x3FA2]  }
0x2b: {  	s6 =	sld [smem:$0x3FA3]  }
0x2c: {  	s7 =	sld [smem:$0x3FA4]  }
0x2d: {  	s3 =	simm.s32 $0x108;
	s8 =	sld [smem:$0x3FA5]  }
0x2e: {  	s3 =	simm.s32 @!p0 $0x1082;
	s9 =	sld [smem:$0x3FA6]  }
0x2f: {  	lr =	sadd.s32 s0, s3;
	s0 =	sld [smem:$0x3F9D]  }
0x30: {  	s3 =	sld [smem:$0x3FA0]  }
0x31: {  	[smem:$0x3FA9] =	sst s10  }
0x32: {  	s10 =	sld [smem:$0x3FA7];
	_ =	sdelay $0x3  }
0x33: {  	p0 =	seq.s32 s10, $0x1;
	s10 =	sld [smem:$0x3FA9];
	_ =	sdelay $0x3  }
0x34: {  	[smem:$0x3FA9] =	sst s10  }
0x35: {  	s10 =	sld [smem:$0x3FA8];
	_ =	sdelay $0x3  }
0x36: {  	p1 =	seq.s32 s10, $0x1;
	s10 =	sld [smem:$0x3FA9];
	_ =	sdelay $0x3  }
0x37: {  	[smem:$0x3FA9] =	sst s10  }
0x38: {  	s10 =	sld [smem:$0x3FAA]  }
0x39: {  	_ = 	snop;
	(pc) =	sbr.ind lr, $3  }
0x3a: {  	_ = 	snop  }
0x3b: {  	_ = 	snop  }
0x3c: {  	p2 =	seq.s32 s10, $0x1;
	s10 =	sld [smem:$0x3FA9]  }
0x3d: {  	_ =	shalt  }
0x3e: {  	_ =	shalt  }
0x3f: {  	_ =	shalt  }
0x40: {  	_ =	shalt  }
0x41: {  	_ =	shalt  }
0x42: {  	_ =	shalt  }
0x43: {  	_ =	shalt  }
0x44: {  	_ =	shalt  }
0x45: {  	_ =	shalt  }
0x46: {  	_ =	shalt  }
0x47: {  	_ =	shalt  }
0x48: {  	_ =	shalt  }
0x49: {  	_ =	shalt  }
0x4a: {  	_ =	shalt  }
0x4b: {  	_ =	shalt  }
0x4c: {  	_ =	shalt  }
0x4d: {  	_ =	shalt  }
0x4e: {  	_ =	shalt  }
0x4f: {  	_ =	shalt  }
0x50: {  	_ =	shalt  }
0x51: {  	_ =	shalt  }
0x52: {  	_ =	shalt  }
0x53: {  	_ =	shalt  }
0x54: {  	_ =	shalt  }
0x55: {  	_ =	shalt  }
0x56: {  	_ =	shalt  }
0x57: {  	_ =	shalt  }
0x58: {  	_ =	shalt  }
0x59: {  	_ =	shalt  }
0x5a: {  	_ =	shalt  }
0x5b: {  	_ =	shalt  }
0x5c: {  	_ =	shalt  }
0x5d: {  	_ =	shalt  }
0x5e: {  	_ =	shalt  }
0x5f: {  	_ =	shalt  }
0x60: {  	_ =	shalt  }
0x61: {  	_ =	shalt  }
0x62: {  	_ =	shalt  }
0x63: {  	_ =	shalt  }
0x64: {  	_ =	shalt  }
0x65: {  	_ =	shalt  }
0x66: {  	_ =	shalt  }
0x67: {  	_ =	shalt  }
0x68: {  	_ =	shalt  }
0x69: {  	_ =	shalt  }
0x6a: {  	_ =	shalt  }
0x6b: {  	_ =	shalt  }
0x6c: {  	_ =	shalt  }
0x6d: {  	_ =	shalt  }
0x6e: {  	_ =	shalt  }
0x6f: {  	_ =	shalt  }
0x70: {  	_ =	shalt  }
0x71: {  	_ =	shalt  }
0x72: {  	_ =	shalt  }
0x73: {  	_ =	shalt  }
0x74: {  	_ =	shalt  }
0x75: {  	_ =	shalt  }
0x76: {  	_ =	shalt  }
0x77: {  	_ =	shalt  }
0x78: {  	_ =	shalt  }
0x79: {  	_ =	shalt  }
0x7a: {  	_ =	shalt  }
0x7b: {  	_ =	shalt  }
0x7c: {  	_ =	shalt  }
0x7d: {  	_ =	shalt  }
0x7e: {  	_ =	shalt  }
0x7f: {  	_ =	shalt  }
0x80: {  	_ =	shalt  }
0x81: {  	_ =	shalt  }
0x82: {  	_ =	shalt  }
0x83: {  	_ =	shalt  }
0x84: {  	_ =	shalt  }
0x85: {  	_ =	shalt  }
0x86: {  	_ =	shalt  }
0x87: {  	_ =	shalt  }
.Lfunc_end0:
.L_simem_size_0:
called_computation_lowered:
.L_overlay_start_0:
0x88: {  	s2 =	sld [smem:$0x3FD9]  }
0x89: {  	s3 =	sld [smem:$0x3FFE];
	_ =	sdelay $0x1  }
0x8a: {  	s1 =	srdreg.scid  }
0x8b: {  	s0 =	sand.u32 $0x1, s1  }
0x8c: {  	s14 =	sshll.u32 s0, $0xA;
	s2 =	sadd.s32 s3, s2  }
0x8d: {  	s2 =	sadd.s32 s2, s14  }
0x8e: {  	[smem:$0x3FB5] =	sst s2  }
0x8f: {  	_ = 	snop  }
0x90: {  	s2 =	sld [smem:$0x3FD0];
	_ =	sdelay $0x2  }
0x91: {  	s15 =	simm.s32 $0xA;
	s4 =	simm.s32 $0x10  }
0x92: {  	[smem:s4], [sflag:s15] =	dma.local [hbm:s2], $0x1  }
0x93: {  	_ =	swait.eq [sflag:s15], $0x1  }
0x94: {  	[sflag:s15] =	ssyncset.done $0x0  }
0x95: {  	s16 =	sld [smem:$0x10];
	[sflag:s15] =	ssyncadd.s32 $0xFFFFFFFF  }
0x96: {  	s17 =	sld [smem:$0x11];
	(tm) =	ssettm $0x1  }
0x97: {  	s18 =	sld [smem:$0x3FFB];
	_ =	sdelay $0x3  }
0x98: {  	_ =	strace s18  }
0x99: {  	s4 =	sld [smem:$0x3FFC];
	_ =	sdelay $0x3  }
0x9a: {  	_ =	strace s4  }
0x9b: {  	s4 =	sld [smem:$0x3FFD];
	_ =	sdelay $0x3  }
0x9c: {  	_ =	strace s4  }
0x9d: {  	_ =	strace $0x8FFFFFFF  }
0x9e: {  	s19 =	sld [smem:$0x3FDB];
	_ =	sdelay $0x1  }
0x9f: {  	s5 =	simm.s32 $_scs_section_size  }
0xa0: {  	s6 =	simm.s32 $_size__tile_overlayer_lowered;
	s7 =	simm.s32 $_tile_overlayer_lowered  }
0xa1: {  	s22 =	simm.s32 $0x1BFF;
	s21 =	sshll.u32 s7, $0x1;
	s4 =	sadd.s32 s5, s19  }
0xa2: {  	s8 =	simm.s32 $0x0;
	s20 =	sshll.u32 s6, $0x1;
	s6 =	sadd.s32 s21, s4  }
0xa3: {  	[timem:s8], [sflag:s22] =	dma.local [hbm:s6], s20  }
0xa4: {  	_ =	swait.ge [sflag:s22], s20  }
0xa5: {  	s5 =	ssub.s32 $0x0, s20;
	[sflag:s22] =	ssyncset.done $0x0  }
0xa6: {  	[sflag:s22] =	ssyncadd.s32 s5;
	_ =	sdelay $0x1  }
0xa7: {  	s23 =	simm.s32 $0x1B8B  }
0xa8: {  	_ =	swait.ge [sflag:s23], $0x1  }
0xa9: {  	[sflag:s23] =	ssyncset.done $0x0  }
0xaa: {  	s25 =	simm.s32 $0x1B8E;
	s24 =	sld [smem:$0x3FFE];
	[sflag:s23] =	ssyncadd.s32 $0xFFFFFFFF  }
0xab: {  	s26 =	simm.s32 $execute0_lowered;
	[smem:$0x3FD2] =	sst s25  }
0xac: {  	s6 =	sshll.u32 s26, $0x1;
	_ =	strace $0x80000046;
	[dreg:$0x1] =	wrdreg $0xFFFFFFFF  }
0xad: {  	s28 =	simm.s32 $_size_execute0_lowered;
	s4 =	sadd.s32 s4, s6;
	[dreg:$0x0] =	wrdreg $0x0  }
0xae: {  	s6 =	sshll.u32 s28, $0x1;
	[dreg:$0x2] =	wrdreg s4  }
0xaf: {  	[dreg:$0x3] =	wrdreg s6  }
0xb0: {  	[dreg:$0x4] =	wrdreg $0xC0  }
0xb1: {  	_ =	task [dreg:s8], $0x5FFFF  }
0xb2: {  	[dreg:$0x1] =	wrdreg $0xFFFFFFFF  }
0xb3: {  	[dreg:$0x0] =	wrdreg $0x60  }
0xb4: {  	[dreg:$0x2] =	wrdreg s16  }
0xb5: {  	[dreg:$0x3] =	wrdreg s17  }
0xb6: {  	[dreg:$0x4] =	wrdreg s24  }
0xb7: {  	[dreg:$0x5] =	wrdreg $0x9  }
0xb8: {  	_ =	task.clear_ibuf [dreg:s8], $0x6FFFF;
	_ =	strace $0x90000046  }
0xb9: {  	s29 =	simm.s32 $0x9;
	_ =	strace $0x80000048  }
0xba: {  	_ =	swait.ge [sflag:s29], $0x1  }
0xbb: {  	[sflag:s29] =	ssyncadd.s32 $0xFFFFFFFF  }
0xbc: {  	_ =	strace $0x90000048  }
0xbd: {  	_ =	sfence  }
0xbe: {  	s30 =	sld [smem:$0x0];
	_ =	sdelay $0x2  }
0xbf: {  	s31 =	sshll.u32 s1, $0xD;
	s1 =	sshrl.u32 s1, $0x2  }
0xc0: {  	s3 =	sand.u32 $0x4000, s31;
	s1 =	sadd.s32 s1, s30  }
0xc1: {  	s0 =	sor.u32 s3, s0;
	s1 =	sshll.u32 s1, $0x11  }
0xc2: {  	s0 =	sor.u32 s1, s0  }
0xc3: {  	s0 =	sadd.s32 $0x8F2B, s0  }
0xc4: {  	[sflag:s0] =	ssyncadd.remote.s32 $0x1  }
0xc5: {  	_ =	sfence.sel $0xFFFF  }
0xc6: {  	[dreg:$0x0] =	wrdreg $0xFFFFFFFF;
	(pc) =	sbr.abs _section_cstart, $3  }
0xc7: {  	[dreg:$0x1] =	wrdreg $0xFFFFFFFF  }
0xc8: {  	_ =	task.clear_ibuf [dreg:s8], $0x2FFFF;
	_ =	strace $0x9FFFFFFF  }
0xc9: {  	(tm) =	ssettm $0x7FFFFFFF  }
tec
execute0_lowered:
.L_overlay_start_1:
0x0: {  	(tag) =	ssettag $0x1  }
0x1: {  	s1 =	rddreg [dreg:$0x0]  }
0x2: {  	s3 =	rddreg [dreg:$0x1]  }
0x3: {  	s2 =	srdreg.scid;
	s0 =	stileid.u32  }
0x4: {  	s6 =	rddreg [dreg:$0x2];
	s4 =	simm.s32 $0x0;
	s11 =	simm.s32 $0x5  }
0x5: {  	s12 =	simm.s32 $0x2800;
	s13 =	simm.s32 $0x80;
	s14 =	simm.s32 $0x5000  }
0x6: {  	s15 =	simm.s32 $0xD000;
	s16 =	simm.s32 $0x9000;
	s17 =	simm.s32 $0x2880  }
0x7: {  	s18 =	simm.s32 $0x11000;
	s19 =	simm.s32 $0x1;
	s20 =	simm.s32 $0x15000  }
0x8: {  	s21 =	simm.s32 $0x2;
	s2 =	sand.u32 $0x1, s2;
	s5 =	sshll.u32 s0, $0x1  }
0x9: {  	s22 =	simm.s32 $0x19000;
	s23 =	simm.s32 $0x3;
	s5 =	sor.u32 s2, s5  }
0xa: {  	s24 =	simm.s32 $0x4;
	s2 =	ssub.s32 $0x2, s2;
	s7 =	smul.u32 $0x500, s5  }
0xb: {  	[smem:$0x7FF] =	sst s4;
	s31 =	sshrl.u32 s2, $0x1;
	s5 =	smul.u32 $0x50, s5  }
0xc: {  	s25 =	simm.s32 $0x0;
	_ =	strace $0x80000047;
	s2 =	ssub.s32 s2, s31  }
0xd: {  	s8 =	sadd.s32 s7, s6;
	s6 =	sadd.s32 $0x17000, s6;
	s9 =	sor.u32 $0x1, s5  }
0xe: {  	s10 =	smax.u32 s2, $0x1;
	s7 =	sadd.s32 $0x3000, s8;
	s8 =	sadd.s32 $0xD000, s8  }
.LBB2_1:
0xf: {  	[tilespmem:s4], [sflag:$0x5] =	stream.linear.gather [hbm4b:s7+s4], $0x2800, $0x38;
	[tilespmem:$0x1D000] =	vst v63  }
0x10: {  	_ =	swait.ge [sflag:s11], $0x2800  }
0x11: {  	[sflag:s11] =	ssyncset.done $0x0  }
0x12: {  	[sflag:s11] =	ssyncadd.s32 $0xFFFFD800  }
0x13: {  	[tilespmem:s12], [sflag:$0x5] =	stream.linear.gather [hbm4b:s8+s4], $0x2800, $0x38;
	[tilespmem:$0x1D000] =	vst v63  }
0x14: {  	_ =	swait.ge [sflag:s11], $0x2800  }
0x15: {  	[sflag:s11] =	ssyncset.done $0x0  }
0x16: {  	[sflag:s11] =	ssyncadd.s32 $0xFFFFD800  }
0x17: {  	[tilespmem:s14], [sflag:$0x1] =	stream.indirect.gather [hbm4b:s1+s13], $0x80, s4, s13, $0xb8;
	[tilespmem:$0x1D000] =	vst v63  }
0x18: {  	_ = 	snop  }
0x19: {  	[tilespmem:s15], [sflag:$0x1] =	stream.indirect.gather [hbm4b:s3+s13], $0x80, s12, s13, $0xb8;
	[tilespmem:$0x1D000] =	vst v63  }
0x1a: {  	_ = 	snop  }
0x1b: {  	[tilespmem:s16], [sflag:$0x2] =	stream.indirect.gather [hbm4b:s1+s13], $0x80, s13, s13, $0xb8;
	[tilespmem:$0x1D000] =	vst v63  }
0x1c: {  	s26 =	simm.s32 $0x0  }
0x1d: {  	[tilespmem:s18], [sflag:$0x2] =	stream.indirect.gather [hbm4b:s3+s13], $0x80, s17, s13, $0xb8;
	[tilespmem:$0x1D000] =	vst v63  }
.LBB2_2:
0x1e: {  	_ =	swait.ge [sflag:s19], $0x4000  }
0x1f: {  	[sflag:s19] =	ssyncset.done $0x0  }
0x20: {  	[sflag:s19] =	ssyncadd.s32 $0xFFFFC000  }
0x21: {  	_ =	swait.ge [sflag:s19], $0x4000  }
0x22: {  	[sflag:s19] =	ssyncset.done $0x0  }
0x23: {  	s28 =	simm.s32 $0x0;
	[sflag:s19] =	ssyncadd.s32 $0xFFFFC000  }
0x24: {  	v0 =	vld [tilespmem:s28+$0x5070]  }
0x25: {  	v1 =	vld [tilespmem:s28+$0xD070]  }
0x26: {  	v2 =	vld [tilespmem:s28+$0x5000]  }
0x27: {  	v3 =	vld [tilespmem:s28+$0xD000]  }
0x28: {  	v4 =	vld [tilespmem:s28+$0x5010]  }
0x29: {  	v5 =	vld [tilespmem:s28+$0xD010]  }
0x2a: {  	v6 =	vld [tilespmem:s28+$0x5020]  }
0x2b: {  	v7 =	vld [tilespmem:s28+$0x5030]  }
0x2c: {  	v0 =	vadd.f32 v1, v0;
	v1 =	vld [tilespmem:s28+$0xD020]  }
0x2d: {  	v8 =	vld [tilespmem:s28+$0xD030]  }
0x2e: {  	v9 =	vld [tilespmem:s28+$0xD040];
	v2 =	vadd.f32 v3, v2  }
0x2f: {  	[tilespmem:s28+$0x15070] =	vst v0;
	v0 =	vadd.f32 v5, v4;
	v5 =	vld [tilespmem:s28+$0x5040]  }
0x30: {  	v3 =	vld [tilespmem:s28+$0xD050];
	[tilespmem:s28+$0x15000] =	vst v2  }
0x31: {  	v2 =	vld [tilespmem:s28+$0x5050];
	[tilespmem:s28+$0x15010] =	vst v0;
	v0 =	vadd.f32 v1, v6  }
0x32: {  	v4 =	vld [tilespmem:s28+$0xD060];
	v6 =	vadd.f32 v8, v7  }
0x33: {  	s29 =	simm.s32 $0x80;
	[tilespmem:s28+$0x15020] =	vst v0;
	v0 =	vld [tilespmem:s28+$0x5060]  }
0x34: {  	s30 =	simm.s32 $0x400;
	v5 =	vadd.f32 v9, v5;
	v1 =	vld [tilespmem:s29+$0x5070];
	[tilespmem:s28+$0x15030] =	vst v6  }
.LBB2_3:
0x35: {  	p0 =	sne.s32 s30, $0xFE00;
	v6 =	vld [tilespmem:s29+$0xD070]  }
0x36: {  	v7 =	vld [tilespmem:s29+$0x5000];
	[tilespmem:s28+$0x15040] =	vst v5;
	v2 =	vadd.f32 v3, v2  }
0x37: {  	v3 =	vld [tilespmem:s29+$0xD000]  }
0x38: {  	v5 =	vld [tilespmem:s29+$0x5010];
	[tilespmem:s28+$0x15050] =	vst v2;
	v0 =	vadd.f32 v4, v0  }
0x39: {  	v2 =	vld [tilespmem:s29+$0xD010]  }
0x3a: {  	v4 =	vld [tilespmem:s29+$0x5020];
	v1 =	vadd.f32 v6, v1;
	[tilespmem:s28+$0x15060] =	vst v0;
	s28 =	smov.u32 s29  }
0x3b: {  	v0 =	vld [tilespmem:s28+$0xD020]  }
0x3c: {  	v3 =	vadd.f32 v3, v7;
	v6 =	vld [tilespmem:s28+$0x5030];
	[tilespmem:s28+$0x15070] =	vst v1  }
0x3d: {  	v1 =	vld [tilespmem:s28+$0xD030]  }
0x3e: {  	[tilespmem:s28+$0x15000] =	vst v3;
	v2 =	vadd.f32 v2, v5;
	v5 =	vld [tilespmem:s28+$0x5040]  }
0x3f: {  	v7 =	vld [tilespmem:s28+$0xD040]  }
.Ltmp0:
0x40: {  	[tilespmem:s28+$0x15010] =	vst v2;
	v0 =	vadd.f32 v0, v4;
	v2 =	vld [tilespmem:s28+$0x5050];
	(pc) =	sbr.rel @p0 .LBB2_3-.Ltmp0, $4  }
0x41: {  	v3 =	vld [tilespmem:s28+$0xD050]  }
0x42: {  	[tilespmem:s28+$0x15020] =	vst v0;
	v6 =	vadd.f32 v1, v6;
	v0 =	vld [tilespmem:s28+$0x5060]  }
0x43: {  	s29 =	sshra.s32 s30, $0x2;
	v4 =	vld [tilespmem:s28+$0xD060]  }
0x44: {  	s30 =	sadd.s32 $0x200, s30;
	v1 =	vld [tilespmem:s29+$0x5070];
	[tilespmem:s28+$0x15030] =	vst v6;
	v5 =	vadd.f32 v7, v5  }
0x45: {  	v6 =	vld [tilespmem:s29+$0xD070]  }
0x46: {  	v7 =	vld [tilespmem:s29+$0x5000];
	[tilespmem:s28+$0x15040] =	vst v5;
	v2 =	vadd.f32 v3, v2  }
0x47: {  	v3 =	vld [tilespmem:s29+$0xD000]  }
0x48: {  	v5 =	vld [tilespmem:s29+$0x5010];
	[tilespmem:s28+$0x15050] =	vst v2;
	v0 =	vadd.f32 v4, v0  }
0x49: {  	v2 =	vld [tilespmem:s29+$0xD010]  }
0x4a: {  	v4 =	vld [tilespmem:s29+$0x5020];
	[tilespmem:s28+$0x15060] =	vst v0  }
0x4b: {  	v0 =	vadd.f32 v6, v1;
	v1 =	vld [tilespmem:s29+$0xD020]  }
0x4c: {  	v6 =	vld [tilespmem:s29+$0x5030]  }
0x4d: {  	v3 =	vadd.f32 v3, v7;
	[tilespmem:s29+$0x15070] =	vst v0;
	v0 =	vld [tilespmem:s29+$0xD030]  }
0x4e: {  	v7 =	vld [tilespmem:s29+$0xD060]  }
0x4f: {  	[tilespmem:s29+$0x15000] =	vst v3;
	v2 =	vadd.f32 v2, v5;
	v3 =	vld [tilespmem:s29+$0x5040]  }
0x50: {  	v5 =	vld [tilespmem:s29+$0xD040]  }
0x51: {  	[tilespmem:s29+$0x15010] =	vst v2;
	v1 =	vadd.f32 v1, v4;
	v2 =	vld [tilespmem:s29+$0x5050]  }
0x52: {  	v4 =	vld [tilespmem:s29+$0xD050]  }
0x53: {  	[tilespmem:s29+$0x15020] =	vst v1;
	v1 =	vld [tilespmem:s29+$0x5060];
	_ =	sdelay $0x1  }
0x54: {  	v0 =	vadd.f32 v0, v6  }
0x55: {  	v3 =	vadd.f32 v5, v3  }
0x56: {  	[tilespmem:s29+$0x15030] =	vst v0;
	v0 =	vadd.f32 v4, v2  }
0x57: {  	p0 =	seq.s32 s26, $0x27;
	[tilespmem:s29+$0x15040] =	vst v3;
	v1 =	vadd.f32 v7, v1  }
0x58: {  	s28 =	sshll.u32 @!p0 s26, $0x8;
	[tilespmem:s29+$0x15050] =	vst v0  }
0x59: {  	s30 =	simm.s32 @!p0 $0x5000;
	s2 =	sadd.s32 @!p0 $0x100, s28;
	[tilespmem:s29+$0x15060] =	vst v1;
	s29 =	simm.s32 @!p0 $0x80  }
0x5a: {  	[tilespmem:s30], [sflag:$0x1] =	stream.indirect.gather @!p0 [hbm4b:s1+s29], $0x80, s2, s29, $0xb8;
	[tilespmem:$0x1D000] =	vst v63  }
0x5b: {  	p1 =	seq.s32 @!p0 s26, $0x0;
	s2 =	sadd.s32 @!p0 $0x2900, s28;
	s30 =	simm.s32 @!p0 $0xD000  }
0x5c: {  	[tilespmem:s30], [sflag:$0x1] =	stream.indirect.gather @!p0 [hbm4b:s3+s29], $0x80, s2, s29, $0xb8;
	[tilespmem:$0x1D000] =	vst v63  }
0x5d: {  	p1 =	por p0, !p1;
	s29 =	sshll.u32 s26, $0x1  }
0x5e: {  	_ =	swait.ge @p1 [sflag:s23], $0x4000;
	s2 =	sadd.s32 s5, s29  }
0x5f: {  	[sflag:s23] =	ssyncset.done @p1 $0x0;
	s2 =	sshll.u32 s2, $0xB  }
0x60: {  	s30 =	simm.s32 $0x0;
	[sflag:s23] =	ssyncadd.s32 @p1 $0xFFFFC000;
	s2 =	sadd.s32 s6, s2  }
0x61: {  	[hbm4b:s2+s30] =	stream.linear.scatter [tilespmem:s20], [sflag:$0x3], $0x4000, $0x38;
	[tilespmem:$0x1D000] =	vst v63  }
0x62: {  	_ =	swait.ge [sflag:s21], $0x4000  }
0x63: {  	[sflag:s21] =	ssyncset.done $0x0  }
0x64: {  	[sflag:s21] =	ssyncadd.s32 $0xFFFFC000  }
0x65: {  	_ =	swait.ge [sflag:s21], $0x4000  }
0x66: {  	[sflag:s21] =	ssyncset.done $0x0  }
0x67: {  	s30 =	simm.s32 $0x0;
	[sflag:s21] =	ssyncadd.s32 $0xFFFFC000  }
0x68: {  	v0 =	vld [tilespmem:s30+$0x9070]  }
0x69: {  	v1 =	vld [tilespmem:s30+$0x11070]  }
0x6a: {  	v2 =	vld [tilespmem:s30+$0x9000]  }
0x6b: {  	v3 =	vld [tilespmem:s30+$0x11000]  }
0x6c: {  	v4 =	vld [tilespmem:s30+$0x9010]  }
0x6d: {  	v5 =	vld [tilespmem:s30+$0x11010]  }
0x6e: {  	v6 =	vld [tilespmem:s30+$0x9020]  }
0x6f: {  	v7 =	vld [tilespmem:s30+$0x9030]  }
0x70: {  	v0 =	vadd.f32 v1, v0;
	v1 =	vld [tilespmem:s30+$0x11020]  }
0x71: {  	v8 =	vld [tilespmem:s30+$0x11030]  }
0x72: {  	v9 =	vld [tilespmem:s30+$0x11040];
	v2 =	vadd.f32 v3, v2  }
0x73: {  	[tilespmem:s30+$0x19070] =	vst v0;
	v0 =	vadd.f32 v5, v4;
	v5 =	vld [tilespmem:s30+$0x9040]  }
0x74: {  	v3 =	vld [tilespmem:s30+$0x11050];
	[tilespmem:s30+$0x19000] =	vst v2  }
0x75: {  	v2 =	vld [tilespmem:s30+$0x9050];
	[tilespmem:s30+$0x19010] =	vst v0;
	v0 =	vadd.f32 v1, v6  }
0x76: {  	v4 =	vld [tilespmem:s30+$0x11060];
	v6 =	vadd.f32 v8, v7  }
0x77: {  	s31 =	simm.s32 $0x80;
	[tilespmem:s30+$0x19020] =	vst v0;
	v0 =	vld [tilespmem:s30+$0x9060]  }
0x78: {  	s2 =	simm.s32 $0x400;
	v5 =	vadd.f32 v9, v5;
	v1 =	vld [tilespmem:s31+$0x9070];
	[tilespmem:s30+$0x19030] =	vst v6  }
.LBB2_5:
0x79: {  	p2 =	sne.s32 s2, $0xFE00;
	v6 =	vld [tilespmem:s31+$0x11070]  }
0x7a: {  	v7 =	vld [tilespmem:s31+$0x9000];
	[tilespmem:s30+$0x19040] =	vst v5;
	v2 =	vadd.f32 v3, v2  }
0x7b: {  	v3 =	vld [tilespmem:s31+$0x11000]  }
0x7c: {  	v5 =	vld [tilespmem:s31+$0x9010];
	[tilespmem:s30+$0x19050] =	vst v2;
	v0 =	vadd.f32 v4, v0  }
0x7d: {  	v2 =	vld [tilespmem:s31+$0x11010]  }
0x7e: {  	v4 =	vld [tilespmem:s31+$0x9020];
	v1 =	vadd.f32 v6, v1;
	[tilespmem:s30+$0x19060] =	vst v0;
	s30 =	smov.u32 s31  }
0x7f: {  	v0 =	vld [tilespmem:s30+$0x11020]  }
0x80: {  	v3 =	vadd.f32 v3, v7;
	v6 =	vld [tilespmem:s30+$0x9030];
	[tilespmem:s30+$0x19070] =	vst v1  }
0x81: {  	v1 =	vld [tilespmem:s30+$0x11030]  }
0x82: {  	[tilespmem:s30+$0x19000] =	vst v3;
	v2 =	vadd.f32 v2, v5;
	v5 =	vld [tilespmem:s30+$0x9040]  }
0x83: {  	v7 =	vld [tilespmem:s30+$0x11040]  }
.Ltmp1:
0x84: {  	[tilespmem:s30+$0x19010] =	vst v2;
	v0 =	vadd.f32 v0, v4;
	v2 =	vld [tilespmem:s30+$0x9050];
	(pc) =	sbr.rel @p2 .LBB2_5-.Ltmp1, $4  }
0x85: {  	v3 =	vld [tilespmem:s30+$0x11050]  }
0x86: {  	[tilespmem:s30+$0x19020] =	vst v0;
	v6 =	vadd.f32 v1, v6;
	v0 =	vld [tilespmem:s30+$0x9060]  }
0x87: {  	s31 =	sshra.s32 s2, $0x2;
	v4 =	vld [tilespmem:s30+$0x11060]  }
0x88: {  	s2 =	sadd.s32 $0x200, s2;
	v1 =	vld [tilespmem:s31+$0x9070];
	[tilespmem:s30+$0x19030] =	vst v6;
	v5 =	vadd.f32 v7, v5  }
0x89: {  	v6 =	vld [tilespmem:s31+$0x11070]  }
0x8a: {  	v7 =	vld [tilespmem:s31+$0x9000];
	[tilespmem:s30+$0x19040] =	vst v5;
	v2 =	vadd.f32 v3, v2  }
0x8b: {  	v51 =	vld [tilespmem:s31+$0x11000]  }
0x8c: {  	v5 =	vld [tilespmem:s31+$0x9010];
	[tilespmem:s30+$0x19050] =	vst v2;
	v0 =	vadd.f32 v4, v0  }
0x8d: {  	v2 =	vld [tilespmem:s31+$0x11010]  }
0x8e: {  	v52 =	vld [tilespmem:s31+$0x9020];
	[tilespmem:s30+$0x19060] =	vst v0  }
0x8f: {  	v54 =	vld [tilespmem:s31+$0x11020]  }
0x90: {  	v55 =	vld [tilespmem:s31+$0x9030]  }
0x91: {  	v56 =	vld [tilespmem:s31+$0x11030]  }
0x92: {  	v57 =	vld [tilespmem:s31+$0x9040]  }
0x93: {  	v58 =	vld [tilespmem:s31+$0x11040]  }
0x94: {  	v59 =	vld [tilespmem:s31+$0x9050]  }
0x95: {  	v53 =	vadd.f32 v6, v1;
	v60 =	vld [tilespmem:s31+$0x11050]  }
0x96: {  	v61 =	vld [tilespmem:s31+$0x9060];
	v3 =	vadd.f32 v51, v7  }
0x97: {  	v62 =	vld [tilespmem:s31+$0x11060];
	[tilespmem:s31+$0x19070] =	vst v53;
	v2 =	vadd.f32 v2, v5  }
0x98: {  	[tilespmem:s31+$0x19000] =	vst v3;
	v1 =	vadd.f32 v54, v52  }
0x99: {  	[tilespmem:s31+$0x19010] =	vst v2;
	v0 =	vadd.f32 v56, v55  }
0x9a: {  	v3 =	vadd.f32 v58, v57;
	[tilespmem:s31+$0x19020] =	vst v1  }
0x9b: {  	v63 =	vadd.f32 v60, v59;
	[tilespmem:s31+$0x19030] =	vst v0  }
0x9c: {  	[tilespmem:s31+$0x19040] =	vst v3;
	v1 =	vadd.f32 v62, v61  }
0x9d: {  	[tilespmem:s31+$0x19050] =	vst v63  }
0x9e: {  	s2 =	sadd.s32 @!p0 $0x180, s28;
	s30 =	simm.s32 @!p0 $0x80;
	[tilespmem:s31+$0x19060] =	vst v1;
	s31 =	simm.s32 @!p0 $0x9000  }
0x9f: {  	[tilespmem:s31], [sflag:$0x2] =	stream.indirect.gather @!p0 [hbm4b:s1+s30], $0x80, s2, s30, $0xb8;
	[tilespmem:$0x1D000] =	vst v63  }
0xa0: {  	s26 =	sadd.s32 $0x1, s26;
	s2 =	sadd.s32 @!p0 $0x2980, s28;
	s28 =	simm.s32 @!p0 $0x11000  }
0xa1: {  	[tilespmem:s28], [sflag:$0x2] =	stream.indirect.gather @!p0 [hbm4b:s3+s30], $0x80, s2, s30, $0xb8;
	[tilespmem:$0x1D000] =	vst v63  }
0xa2: {  	p0 =	sne.s32 s26, $0x28  }
.Ltmp2:
0xa3: {  	s31 =	sadd.s32 s29, s9;
	(pc) =	sbr.rel @p0 .LBB2_2-.Ltmp2, $4  }
0xa4: {  	s2 =	sshll.u32 s31, $0xB;
	_ =	swait.ge @p1 [sflag:s24], $0x4000  }
0xa5: {  	s2 =	sand.u32 $0x1FFFF800, s2;
	[sflag:s24] =	ssyncset.done @p1 $0x0  }
0xa6: {  	s2 =	sadd.s32 s6, s2;
	[sflag:s24] =	ssyncadd.s32 @p1 $0xFFFFC000  }
0xa7: {  	[hbm4b:s2+s4] =	stream.linear.scatter [tilespmem:s22], [sflag:$0x4], $0x4000, $0x38;
	[tilespmem:$0x1D000] =	vst v63  }
0xa8: {  	s25 =	sadd.s32 $0x1, s25  }
0xa9: {  	_ =	swait.ge [sflag:s23], $0x4000;
	p0 =	sne.s32 s25, s10  }
.Ltmp3:
0xaa: {  	[sflag:s23] =	ssyncset.done $0x0;
	(pc) =	sbr.rel @p0 .LBB2_1-.Ltmp3, $4  }
0xab: {  	[sflag:s23] =	ssyncadd.s32 $0xFFFFC000  }
0xac: {  	_ =	swait.ge [sflag:s24], $0x4000  }
0xad: {  	[sflag:s24] =	ssyncset.done $0x0  }
0xae: {  	[sflag:s24] =	ssyncadd.s32 $0xFFFFC000  }
0xaf: {  	_ =	sfence.sel $0x180000  }
0xb0: {  	[bflag:$0x0] =	sbarrier.arrive $0xFFFF  }
0xb1: {  	_ =	strace $0x90000047  }
0xb2: {  	[bflag:$0x2] =	sbarrier.arrive $0xFFFF  }
0xb3: {  	p0 =	sne.s32 s0, $0x0;
	s0 =	rddreg [dreg:$0x3]  }
0xb4: {  	s0 =	sadd.s32 @!p0 $0x100000, s0  }
0xb5: {  	[sflag:s0] =	ssyncadd.tile.s32 @!p0 $0x1;
	_ =	shalt  }
.Lfunc_end2:
_tile_overlayer_lowered:
.L_overlay_start_2:
0xb6: {  	(tag) =	ssettag $0x2  }
0xb7: {  	s0 =	rddreg [dreg:$0x0];
	s2 =	stileid.u32  }
0xb8: {  	s1 =	rddreg [dreg:$0x1];
	p0 =	sne.s32 s2, $0x0  }
0xb9: {  	s3 =	rddreg [dreg:$0x2];
	[bflag:$0x3] =	sbarrier.arrive $0xFFFF;
	s2 =	simm.s32 @!p0 $0x1C05  }
0xba: {  	[timem:s3], [sflag:s2] =	dma.local @!p0 [hbm:s0], s1  }
0xbb: {  	s0 =	simm.s32 @!p0 $0x5  }
0xbc: {  	_ =	swait.ge @!p0 [sflag:s0], s1  }
0xbd: {  	s1 =	ssub.s32 @!p0 $0x0, s1;
	[sflag:s0] =	ssyncset.done @!p0 $0x0  }
0xbe: {  	[sflag:s0] =	ssyncadd.s32 @!p0 s1  }
0xbf: {  	[bflag:$0x3] =	sbarrier.arrive $0xFFFF  }
0xc0: {  	_ =	shalt  }

</sc_bundles>
